<compile_context>
chip_gen: v7x
topology: tpu7x:2x2x1
jax: 0.10.2.dev20260603
libtpu: 0.0.44.dev20260713+nightly
codegen_flags: <defaults>
</compile_context>

<pallas_src>
import functools

import jax
import jax.numpy as jnp
from jax import lax
from jax.experimental import pallas as pl
from jax.experimental.pallas import tpu as pltpu
from jax.experimental.pallas import tpu_sc as plsc

N = 10000
D = 128
E = 320000
NC, NS = 2, 16
NW = NC * NS
CHUNK = 128
EPT = 10112
E_PAD = EPT * NW
NCHUNK = EPT // CHUNK
N_PAD = 10112
RPT = N_PAD // NS
PAD_DST = N
BN_ROWS = 2000
BN_C = 1.0 / (1.0 + 1e-5) ** 0.5


def _sc_mesh():
    return plsc.VectorSubcoreMesh(
        core_axis_name="c", subcore_axis_name="s", num_cores=NC, num_subcores=NS
    )


def _deg_body(edges_hbm, ones_hbm, zeros_hbm, out_hbm, idx_v, ones_v, acc):
    cid = lax.axis_index("c")
    sid = lax.axis_index("s")
    wid = cid * NS + sid
    pltpu.sync_copy(zeros_hbm, acc.at[pl.ds(sid * RPT, RPT)])
    pltpu.sync_copy(ones_hbm, ones_v)
    plsc.subcore_barrier()

    def body(c, carry):
        pltpu.sync_copy(edges_hbm.at[wid * NCHUNK + c], idx_v)
        pltpu.sync_copy(ones_v, acc.at[idx_v.at[1]], add=True)
        return carry

    lax.fori_loop(0, NCHUNK, body, 0)
    plsc.subcore_barrier()
    pltpu.sync_copy(
        acc.at[pl.ds(sid * RPT, RPT)], out_hbm.at[cid, pl.ds(sid * RPT, RPT)]
    )


def _agg_body(xs_hbm, edges_hbm, zeros_hbm, out_hbm, idx_v, rows_v, sem, acc):
    cid = lax.axis_index("c")
    sid = lax.axis_index("s")
    wid = cid * NS + sid
    pltpu.sync_copy(zeros_hbm, acc.at[pl.ds(sid * RPT, RPT)])
    plsc.subcore_barrier()

    def body(c, carry):
        pltpu.sync_copy(edges_hbm.at[wid * NCHUNK + c], idx_v)
        pltpu.async_copy(xs_hbm.at[idx_v.at[0]], rows_v, sem).wait()
        pltpu.sync_copy(rows_v, acc.at[idx_v.at[1]], add=True)
        return carry

    lax.fori_loop(0, NCHUNK, body, 0)
    plsc.subcore_barrier()
    pltpu.sync_copy(
        acc.at[pl.ds(sid * RPT, RPT)], out_hbm.at[cid, pl.ds(sid * RPT, RPT)]
    )


@functools.lru_cache(maxsize=None)
def _sc_kernels():
    deg = pl.kernel(
        _deg_body,
        out_type=jax.ShapeDtypeStruct((NC, N_PAD, D), jnp.float32),
        mesh=_sc_mesh(),
        scratch_types=[
            pltpu.VMEM((2, CHUNK), jnp.int32),
            pltpu.VMEM((CHUNK, D), jnp.float32),
            pltpu.VMEM_SHARED((N_PAD, D), jnp.float32),
        ],
    )
    agg = pl.kernel(
        _agg_body,
        out_type=jax.ShapeDtypeStruct((NC, N_PAD, D), jnp.float32),
        mesh=_sc_mesh(),
        scratch_types=[
            pltpu.VMEM((2, CHUNK), jnp.int32),
            pltpu.VMEM((CHUNK, D), jnp.float32),
            pltpu.SemaphoreType.DMA,
            pltpu.VMEM_SHARED((N_PAD, D), jnp.float32),
        ],
    )
    return deg, agg


def _deg(edges, ones, zeros):
    return _sc_kernels()[0](edges, ones, zeros)


def _agg(xs, edges, zeros):
    return _sc_kernels()[1](xs, edges, zeros)



def _dinv_of(degp_ref):
    deg = degp_ref[0] + degp_ref[1] + 1.0
    return lax.rsqrt(deg)


def _mm1_body(x_ref, w_ref, degp_ref, out_ref):
    dinv = _dinv_of(degp_ref)
    xw = jnp.dot(x_ref[...], w_ref[...], preferred_element_type=jnp.float32)
    out_ref[...] = xw * dinv


def _mm2_body(aggp_ref, xs_ref, degp_ref, b_ref, g_ref, beta_ref, w_ref, out_ref):
    dinv = _dinv_of(degp_ref)
    h = (aggp_ref[0] + aggp_ref[1] + xs_ref[...]) * dinv + b_ref[...]
    h = h * (g_ref[...] * BN_C) + beta_ref[...]
    h = jnp.maximum(h, 0.0)
    out_ref[...] = jnp.dot(h, w_ref[...], preferred_element_type=jnp.float32) * dinv


def _fin_body(aggp_ref, xs_ref, degp_ref, b_ref, out_ref):
    dinv = _dinv_of(degp_ref)
    out_ref[...] = (aggp_ref[0] + aggp_ref[1] + xs_ref[...]) * dinv + b_ref[...]


_GRID = (N // BN_ROWS,)
_ROWS = pl.BlockSpec((BN_ROWS, D), lambda i: (i, 0))
_DEGP = pl.BlockSpec((NC, BN_ROWS, D), lambda i: (0, i, 0))
_AGGP = pl.BlockSpec((NC, BN_ROWS, D), lambda i: (0, i, 0))
_WMAT = pl.BlockSpec((D, D), lambda i: (0, 0))
_VROW = pl.BlockSpec((1, D), lambda i: (0, 0))
_OUT = jax.ShapeDtypeStruct((N, D), jnp.float32)


def _mm1(x, W, degp):
    return pl.pallas_call(
        _mm1_body, grid=_GRID,
        in_specs=[_ROWS, _WMAT, _DEGP], out_specs=_ROWS, out_shape=_OUT,
    )(x, W, degp)


def _mm2(aggp, xs, degp, b, g, beta, W):
    return pl.pallas_call(
        _mm2_body, grid=_GRID,
        in_specs=[_AGGP, _ROWS, _DEGP, _VROW, _VROW, _VROW, _WMAT],
        out_specs=_ROWS, out_shape=_OUT,
    )(aggp, xs, degp, b, g, beta, W)


def _fin(aggp, xs, degp, b):
    return pl.pallas_call(
        _fin_body, grid=_GRID,
        in_specs=[_AGGP, _ROWS, _DEGP, _VROW], out_specs=_ROWS, out_shape=_OUT,
    )(aggp, xs, degp, b)



def kernel(x, edge_index, W1, b1, W2, b2, gamma, beta):
    src = edge_index[0]
    dst = edge_index[1]
    pad_s = jnp.zeros((E_PAD - E,), jnp.int32)
    pad_d = jnp.full((E_PAD - E,), PAD_DST, jnp.int32)
    edges = jnp.stack([
        jnp.concatenate([src, pad_s]),
        jnp.concatenate([dst, pad_d]),
    ])
    edges = edges.reshape(2, NW * NCHUNK, CHUNK).transpose(1, 0, 2)

    ones_row = jnp.ones((CHUNK, D), jnp.float32)
    zeros_row = jnp.zeros((RPT, D), jnp.float32)
    b1r = b1.reshape(1, D)
    b2r = b2.reshape(1, D)
    gr = gamma.reshape(1, D)
    br = beta.reshape(1, D)

    degp = _deg(edges, ones_row, zeros_row)
    xs1 = _mm1(x, W1, degp)
    agg1 = _agg(xs1, edges, zeros_row)
    xs2 = _mm2(agg1, xs1, degp, b1r, gr, br, W2)
    agg2 = _agg(xs2, edges, zeros_row)
    return _fin(agg2, xs2, degp, b2r)

# --- scband reference (transcript-rebuilt; emitter-appended) ---
"""Pipeline reference for scband-gcnencoder-78812649882125 (READ-ONLY COPY).

The authoritative reference and input builder live on the scoring server;
editing this copy changes nothing except your own understanding.
"""

import jax, jax.numpy as jnp
import numpy as np

N = 10000
E = 320000
D_IN = 128
D_HID = 128
D_OUT = 128


def setup_inputs(seed: int = 0) -> dict:
    key = jax.random.key(seed)
    k1, k2, k3, k4 = jax.random.split(key, 4)
    x = jax.random.normal(k1, (N, D_IN), dtype=jnp.float32)
    edge_index = jax.random.randint(k2, (2, E), 0, N, dtype=jnp.int32)
    # GCNConv linear weights (glorot-like init), bias zeros (PyG default bias init is zeros)
    W1 = jax.random.normal(k3, (D_IN, D_HID), dtype=jnp.float32) * (1.0 / np.sqrt(D_IN))
    b1 = jnp.zeros((D_HID,), dtype=jnp.float32)
    W2 = jax.random.normal(k4, (D_HID, D_OUT), dtype=jnp.float32) * (1.0 / np.sqrt(D_HID))
    b2 = jnp.zeros((D_OUT,), dtype=jnp.float32)
    # BatchNorm1d affine params (running_mean=0, running_var=1 are buffers, closed over)
    gamma = jnp.ones((D_HID,), dtype=jnp.float32)
    beta = jnp.zeros((D_HID,), dtype=jnp.float32)
    return {"x": x, "edge_index": edge_index, "W1": W1, "b1": b1, "W2": W2, "b2": b2, "gamma": gamma, "beta": beta}


def gcn_conv(x, edge_index, W, b):
    # Faithful PyG GCNConv: add self-loops, symmetric normalization, linear-then-propagate
    n = x.shape[0]
    loop = jnp.arange(n, dtype=edge_index.dtype)
    src = jnp.concatenate([edge_index[0], loop])
    dst = jnp.concatenate([edge_index[1], loop])
    ew = jnp.ones(src.shape[0], dtype=x.dtype)
    deg = jnp.zeros((n,), dtype=x.dtype).at[dst].add(ew)
    deg_inv_sqrt = jnp.where(deg > 0, 1.0 / jnp.sqrt(jnp.where(deg > 0, deg, 1.0)), 0.0)
    norm = deg_inv_sqrt[src] * deg_inv_sqrt[dst]
    xw = x @ W
    msg = jnp.take(xw, src, axis=0) * norm[:, None]
    out = jnp.zeros((n, W.shape[1]), dtype=x.dtype).at[dst].add(msg)
    return out + b


def reference(x, edge_index, W1, b1, W2, b2, gamma, beta):
    h = gcn_conv(x, edge_index, W1, b1)
    # BatchNorm1d in eval mode: running_mean=0, running_var=1, eps=1e-5
    eps = 1e-5
    h = (h - 0.0) / jnp.sqrt(1.0 + eps) * gamma + beta
    h = jax.nn.relu(h)
    # dropout disabled in eval mode
    out = gcn_conv(h, edge_index, W2, b2)
    return out

if __name__ == "__main__":
    import jax
    _d = setup_inputs()
    print(jax.jit(kernel)(*tuple(_d.values())))

</pallas_src>

<mosaic_0001>
#map = affine_map<(d0, d1) -> (0, 0)>
#map1 = affine_map<(d0, d1) -> (0, 0, 0)>
module attributes {stable_mosaic.version = 14 : i64} {
  func.func @_agg_body(%arg0: i32, %arg1: i32, %arg2: memref<10000x128xf32, #tpu.memory_space<hbm>>, %arg3: memref<2528x2x128xi32, #tpu.memory_space<hbm>>, %arg4: memref<632x128xf32, #tpu.memory_space<hbm>>, %arg5: memref<2x10112x128xf32, #tpu.memory_space<hbm>>, %arg6: memref<2x128xi32, #tpu.memory_space<vmem>>, %arg7: memref<128x128xf32, #tpu.memory_space<vmem>>, %arg8: memref<!tpu.dma_semaphore, #tpu.memory_space<semaphore_mem>>, %arg9: memref<10112x128xf32, #tpu.memory_space<vmem_shared>>) attributes {dimension_semantics = [#tpu.dimension_semantics<core_parallel>, #tpu.dimension_semantics<subcore_parallel>], iteration_bounds = array<i64: 2, 16>, scalar_prefetch = 0 : i64, scratch_operands = 4 : i64, tpu.core_type = #tpu.core_type<sc_vector_subcore>, window_params = [{transform_indices = #map}, {transform_indices = #map1}, {transform_indices = #map}, {transform_indices = #map1}]} {
    %mul3A = arith.constant 16 : i32
    %mul3A_0 = arith.muli %arg0, %mul3A : i32
    %add3A = arith.addi %mul3A_0, %arg1 : i32
    %mul3A_1 = arith.constant 632 : i32
    %mul3A_2 = arith.muli %arg1, %mul3A_1 : i32
    "tpu.region"() ({
      %run_scoped3A = tpu.sem_alloc : memref<!tpu.dma_semaphore, #tpu.memory_space<semaphore_mem>>
      %dma_start3A = arith.constant 0 : i32
      %dma_start3A_13 = tpu.memref_slice %arg9[%mul3A_2, %dma_start3A] : memref<10112x128xf32, #tpu.memory_space<vmem_shared>> -> memref<632x128xf32, #tpu.memory_space<vmem_shared>>
      tpu.enqueue_dma source(%arg4 : memref<632x128xf32, #tpu.memory_space<hbm>>) target(%dma_start3A_13 : memref<632x128xf32, #tpu.memory_space<vmem_shared>>) target_semaphore(%run_scoped3A : memref<!tpu.dma_semaphore, #tpu.memory_space<semaphore_mem>>)
      %dma_wait3A = arith.constant 0 : i32
      %dma_wait3A_14 = tpu.memref_slice %arg9[%mul3A_2, %dma_wait3A] : memref<10112x128xf32, #tpu.memory_space<vmem_shared>> -> memref<632x128xf32, #tpu.memory_space<vmem_shared>>
      tpu.wait_dma2 semaphore(%run_scoped3A : memref<!tpu.dma_semaphore, #tpu.memory_space<semaphore_mem>>) src(%arg4 : memref<632x128xf32, #tpu.memory_space<hbm>>) dst(%dma_wait3A_14 : memref<632x128xf32, #tpu.memory_space<vmem_shared>>)
      tpu.yield
    }) : () -> ()
    %barrier3A = arith.constant 0 : index
    tpu.barrier barrier_id(%barrier3A)
    %scan3A = arith.constant 0 : i32
    %scan3A_3 = arith.constant 0 : i32
    %scan3A_4 = arith.constant 79 : i32
    %scan3A_5 = arith.addi %scan3A_3, %scan3A_4 : i32
    %scan3A_6 = arith.constant 1 : i32
    scf.for %scan3A_13 = %scan3A_3 to %scan3A_5 step %scan3A_6  : i32 {
      %mul3A_14 = arith.constant 79 : i32
      %mul3A_15 = arith.muli %add3A, %mul3A_14 : i32
      %add3A_16 = arith.addi %mul3A_15, %scan3A_13 : i32
      "tpu.region"() ({
        %run_scoped3A_29 = tpu.sem_alloc : memref<!tpu.dma_semaphore, #tpu.memory_space<semaphore_mem>>
        %dma_start3A_30 = arith.constant 0 : i32
        %dma_start3A_31 = arith.constant 0 : i32
        %dma_start3A_32 = tpu.memref_slice %arg3[%add3A_16, %dma_start3A_30, %dma_start3A_31] : memref<2528x2x128xi32, #tpu.memory_space<hbm>> -> memref<1x2x128xi32, #tpu.memory_space<hbm>>
        %dma_start3A_33 = tpu.memref_squeeze %dma_start3A_32 : memref<1x2x128xi32, #tpu.memory_space<hbm>> -> memref<2x128xi32, #tpu.memory_space<hbm>>
        %dma_start3A_34 = arith.constant 0 : i32
        %dma_start3A_35 = arith.constant 0 : i32
        %dma_start3A_36 = tpu.memref_slice %arg3[%add3A_16, %dma_start3A_34, %dma_start3A_35] : memref<2528x2x128xi32, #tpu.memory_space<hbm>> -> memref<1x2x128xi32, #tpu.memory_space<hbm>>
        %dma_start3A_37 = tpu.memref_squeeze %dma_start3A_36 : memref<1x2x128xi32, #tpu.memory_space<hbm>> -> memref<2x128xi32, #tpu.memory_space<hbm>>
        tpu.enqueue_dma source(%dma_start3A_37 : memref<2x128xi32, #tpu.memory_space<hbm>>) target(%arg6 : memref<2x128xi32, #tpu.memory_space<vmem>>) target_semaphore(%run_scoped3A_29 : memref<!tpu.dma_semaphore, #tpu.memory_space<semaphore_mem>>)
        %dma_wait3A_38 = arith.constant 0 : i32
        %dma_wait3A_39 = arith.constant 0 : i32
        %dma_wait3A_40 = tpu.memref_slice %arg3[%add3A_16, %dma_wait3A_38, %dma_wait3A_39] : memref<2528x2x128xi32, #tpu.memory_space<hbm>> -> memref<1x2x128xi32, #tpu.memory_space<hbm>>
        %dma_wait3A_41 = tpu.memref_squeeze %dma_wait3A_40 : memref<1x2x128xi32, #tpu.memory_space<hbm>> -> memref<2x128xi32, #tpu.memory_space<hbm>>
        %dma_wait3A_42 = arith.constant 0 : i32
        %dma_wait3A_43 = arith.constant 0 : i32
        %dma_wait3A_44 = tpu.memref_slice %arg3[%add3A_16, %dma_wait3A_42, %dma_wait3A_43] : memref<2528x2x128xi32, #tpu.memory_space<hbm>> -> memref<1x2x128xi32, #tpu.memory_space<hbm>>
        %dma_wait3A_45 = tpu.memref_squeeze %dma_wait3A_44 : memref<1x2x128xi32, #tpu.memory_space<hbm>> -> memref<2x128xi32, #tpu.memory_space<hbm>>
        tpu.wait_dma2 semaphore(%run_scoped3A_29 : memref<!tpu.dma_semaphore, #tpu.memory_space<semaphore_mem>>) src(%dma_wait3A_45 : memref<2x128xi32, #tpu.memory_space<hbm>>) dst(%arg6 : memref<2x128xi32, #tpu.memory_space<vmem>>)
        tpu.yield
      }) : () -> ()
      %dma_start3A = arith.constant 0 : i32
      %dma_start3A_17 = arith.constant 0 : i32
      %dma_start3A_18 = tpu.memref_slice %arg6[%dma_start3A, %dma_start3A_17] : memref<2x128xi32, #tpu.memory_space<vmem>> -> memref<1x128xi32, #tpu.memory_space<vmem>>
      %dma_start3A_19 = tpu.memref_squeeze %dma_start3A_18 : memref<1x128xi32, #tpu.memory_space<vmem>> -> memref<128xi32, #tpu.memory_space<vmem>>
      %dma_start3A_20 = arith.constant 0 : i32
      %dma_start3A_21 = arith.constant 0 : i32
      %dma_start3A_22 = tpu.memref_slice %arg2[%dma_start3A_20, %dma_start3A_21] : memref<10000x128xf32, #tpu.memory_space<hbm>> -> memref<10000x128xf32, #tpu.memory_space<hbm>>
      tpu.enqueue_indirect_dma source(%dma_start3A_22 : memref<10000x128xf32, #tpu.memory_space<hbm>>) target(%arg7 : memref<128x128xf32, #tpu.memory_space<vmem>>) offsets(%dma_start3A_19 : memref<128xi32, #tpu.memory_space<vmem>>) semaphore(%arg8 : memref<!tpu.dma_semaphore, #tpu.memory_space<semaphore_mem>>)
      %dma_wait3A = arith.constant 0 : i32
      %dma_wait3A_23 = arith.constant 0 : i32
      %dma_wait3A_24 = tpu.memref_slice %arg6[%dma_wait3A, %dma_wait3A_23] : memref<2x128xi32, #tpu.memory_space<vmem>> -> memref<1x128xi32, #tpu.memory_space<vmem>>
      %dma_wait3A_25 = tpu.memref_squeeze %dma_wait3A_24 : memref<1x128xi32, #tpu.memory_space<vmem>> -> memref<128xi32, #tpu.memory_space<vmem>>
      %dma_wait3A_26 = arith.constant 0 : i32
      %dma_wait3A_27 = arith.constant 0 : i32
      %dma_wait3A_28 = tpu.memref_slice %arg2[%dma_wait3A_26, %dma_wait3A_27] : memref<10000x128xf32, #tpu.memory_space<hbm>> -> memref<10000x128xf32, #tpu.memory_space<hbm>>
      tpu.wait_indirect_dma semaphore(%arg8 : memref<!tpu.dma_semaphore, #tpu.memory_space<semaphore_mem>>) src(%dma_wait3A_28 : memref<10000x128xf32, #tpu.memory_space<hbm>>) dst(%arg7 : memref<128x128xf32, #tpu.memory_space<vmem>>)
      %run_scoped3A = arith.constant 1 : i32
      "tpu.region"() ({
        %run_scoped3A_29 = tpu.sem_alloc : memref<!tpu.dma_semaphore, #tpu.memory_space<semaphore_mem>>
        %dma_start3A_30 = arith.constant 0 : i32
        %dma_start3A_31 = tpu.memref_slice %arg6[%run_scoped3A, %dma_start3A_30] : memref<2x128xi32, #tpu.memory_space<vmem>> -> memref<1x128xi32, #tpu.memory_space<vmem>>
        %dma_start3A_32 = tpu.memref_squeeze %dma_start3A_31 : memref<1x128xi32, #tpu.memory_space<vmem>> -> memref<128xi32, #tpu.memory_space<vmem>>
        %dma_start3A_33 = arith.constant 0 : i32
        %dma_start3A_34 = arith.constant 0 : i32
        %dma_start3A_35 = tpu.memref_slice %arg9[%dma_start3A_33, %dma_start3A_34] : memref<10112x128xf32, #tpu.memory_space<vmem_shared>> -> memref<10112x128xf32, #tpu.memory_space<vmem_shared>>
        tpu.enqueue_indirect_dma source(%arg7 : memref<128x128xf32, #tpu.memory_space<vmem>>) target(%dma_start3A_35 : memref<10112x128xf32, #tpu.memory_space<vmem_shared>>) offsets(%dma_start3A_32 : memref<128xi32, #tpu.memory_space<vmem>>) semaphore(%run_scoped3A_29 : memref<!tpu.dma_semaphore, #tpu.memory_space<semaphore_mem>>) {add = true}
        %dma_wait3A_36 = arith.constant 0 : i32
        %dma_wait3A_37 = tpu.memref_slice %arg6[%run_scoped3A, %dma_wait3A_36] : memref<2x128xi32, #tpu.memory_space<vmem>> -> memref<1x128xi32, #tpu.memory_space<vmem>>
        %dma_wait3A_38 = tpu.memref_squeeze %dma_wait3A_37 : memref<1x128xi32, #tpu.memory_space<vmem>> -> memref<128xi32, #tpu.memory_space<vmem>>
        %dma_wait3A_39 = arith.constant 0 : i32
        %dma_wait3A_40 = arith.constant 0 : i32
        %dma_wait3A_41 = tpu.memref_slice %arg9[%dma_wait3A_39, %dma_wait3A_40] : memref<10112x128xf32, #tpu.memory_space<vmem_shared>> -> memref<10112x128xf32, #tpu.memory_space<vmem_shared>>
        tpu.wait_indirect_dma semaphore(%run_scoped3A_29 : memref<!tpu.dma_semaphore, #tpu.memory_space<semaphore_mem>>) src(%arg7 : memref<128x128xf32, #tpu.memory_space<vmem>>) dst(%dma_wait3A_41 : memref<10112x128xf32, #tpu.memory_space<vmem_shared>>)
        tpu.yield
      }) : () -> ()
    }
    %scan3A_7 = arith.constant 79 : i32
    %barrier3A_8 = arith.constant 0 : index
    tpu.barrier barrier_id(%barrier3A_8)
    %mul3A_9 = arith.constant 632 : i32
    %mul3A_10 = arith.muli %arg1, %mul3A_9 : i32
    %mul3A_11 = arith.constant 632 : i32
    %mul3A_12 = arith.muli %arg1, %mul3A_11 : i32
    "tpu.region"() ({
      %run_scoped3A = tpu.sem_alloc : memref<!tpu.dma_semaphore, #tpu.memory_space<semaphore_mem>>
      %dma_start3A = arith.constant 0 : i32
      %dma_start3A_13 = tpu.memref_slice %arg5[%arg0, %mul3A_12, %dma_start3A] : memref<2x10112x128xf32, #tpu.memory_space<hbm>> -> memref<1x632x128xf32, #tpu.memory_space<hbm>>
      %dma_start3A_14 = tpu.memref_squeeze %dma_start3A_13 : memref<1x632x128xf32, #tpu.memory_space<hbm>> -> memref<632x128xf32, #tpu.memory_space<hbm>>
      %dma_start3A_15 = arith.constant 0 : i32
      %dma_start3A_16 = tpu.memref_slice %arg9[%mul3A_10, %dma_start3A_15] : memref<10112x128xf32, #tpu.memory_space<vmem_shared>> -> memref<632x128xf32, #tpu.memory_space<vmem_shared>>
      tpu.enqueue_dma source(%dma_start3A_16 : memref<632x128xf32, #tpu.memory_space<vmem_shared>>) target(%dma_start3A_14 : memref<632x128xf32, #tpu.memory_space<hbm>>) target_semaphore(%run_scoped3A : memref<!tpu.dma_semaphore, #tpu.memory_space<semaphore_mem>>)
      %dma_wait3A = arith.constant 0 : i32
      %dma_wait3A_17 = tpu.memref_slice %arg5[%arg0, %mul3A_12, %dma_wait3A] : memref<2x10112x128xf32, #tpu.memory_space<hbm>> -> memref<1x632x128xf32, #tpu.memory_space<hbm>>
      %dma_wait3A_18 = tpu.memref_squeeze %dma_wait3A_17 : memref<1x632x128xf32, #tpu.memory_space<hbm>> -> memref<632x128xf32, #tpu.memory_space<hbm>>
      %dma_wait3A_19 = arith.constant 0 : i32
      %dma_wait3A_20 = tpu.memref_slice %arg9[%mul3A_10, %dma_wait3A_19] : memref<10112x128xf32, #tpu.memory_space<vmem_shared>> -> memref<632x128xf32, #tpu.memory_space<vmem_shared>>
      tpu.wait_dma2 semaphore(%run_scoped3A : memref<!tpu.dma_semaphore, #tpu.memory_space<semaphore_mem>>) src(%dma_wait3A_20 : memref<632x128xf32, #tpu.memory_space<vmem_shared>>) dst(%dma_wait3A_18 : memref<632x128xf32, #tpu.memory_space<hbm>>)
      tpu.yield
    }) : () -> ()
    return
  }
}

#map = affine_map<(d0, d1) -> (0, 0)>
#map1 = affine_map<(d0, d1) -> (0, 0, 0)>
module attributes {stable_mosaic.version = 14 : i64} {
  func.func @_agg_body(%arg0: i32, %arg1: i32, %arg2: memref<10000x128xf32, #tpu.memory_space<hbm>>, %arg3: memref<2528x2x128xi32, #tpu.memory_space<hbm>>, %arg4: memref<632x128xf32, #tpu.memory_space<hbm>>, %arg5: memref<2x10112x128xf32, #tpu.memory_space<hbm>>, %arg6: memref<2x128xi32, #tpu.memory_space<vmem>>, %arg7: memref<128x128xf32, #tpu.memory_space<vmem>>, %arg8: memref<!tpu.dma_semaphore, #tpu.memory_space<semaphore_mem>>, %arg9: memref<10112x128xf32, #tpu.memory_space<vmem_shared>>) attributes {dimension_semantics = [#tpu.dimension_semantics<core_parallel>, #tpu.dimension_semantics<subcore_parallel>], iteration_bounds = array<i64: 2, 16>, scalar_prefetch = 0 : i64, scratch_operands = 4 : i64, tpu.core_type = #tpu.core_type<sc_vector_subcore>, window_params = [{transform_indices = #map}, {transform_indices = #map1}, {transform_indices = #map}, {transform_indices = #map1}]} {
    %mul3A = arith.constant 16 : i32
    %mul3A_0 = arith.muli %arg0, %mul3A : i32
    %add3A = arith.addi %mul3A_0, %arg1 : i32
    %mul3A_1 = arith.constant 632 : i32
    %mul3A_2 = arith.muli %arg1, %mul3A_1 : i32
    "tpu.region"() ({
      %run_scoped3A = tpu.sem_alloc : memref<!tpu.dma_semaphore, #tpu.memory_space<semaphore_mem>>
      %dma_start3A = arith.constant 0 : i32
      %dma_start3A_13 = tpu.memref_slice %arg9[%mul3A_2, %dma_start3A] : memref<10112x128xf32, #tpu.memory_space<vmem_shared>> -> memref<632x128xf32, #tpu.memory_space<vmem_shared>>
      tpu.enqueue_dma source(%arg4 : memref<632x128xf32, #tpu.memory_space<hbm>>) target(%dma_start3A_13 : memref<632x128xf32, #tpu.memory_space<vmem_shared>>) target_semaphore(%run_scoped3A : memref<!tpu.dma_semaphore, #tpu.memory_space<semaphore_mem>>)
      %dma_wait3A = arith.constant 0 : i32
      %dma_wait3A_14 = tpu.memref_slice %arg9[%mul3A_2, %dma_wait3A] : memref<10112x128xf32, #tpu.memory_space<vmem_shared>> -> memref<632x128xf32, #tpu.memory_space<vmem_shared>>
      tpu.wait_dma2 semaphore(%run_scoped3A : memref<!tpu.dma_semaphore, #tpu.memory_space<semaphore_mem>>) src(%arg4 : memref<632x128xf32, #tpu.memory_space<hbm>>) dst(%dma_wait3A_14 : memref<632x128xf32, #tpu.memory_space<vmem_shared>>)
      tpu.yield
    }) : () -> ()
    %barrier3A = arith.constant 0 : index
    tpu.barrier barrier_id(%barrier3A)
    %scan3A = arith.constant 0 : i32
    %scan3A_3 = arith.constant 0 : i32
    %scan3A_4 = arith.constant 79 : i32
    %scan3A_5 = arith.addi %scan3A_3, %scan3A_4 : i32
    %scan3A_6 = arith.constant 1 : i32
    scf.for %scan3A_13 = %scan3A_3 to %scan3A_5 step %scan3A_6  : i32 {
      %mul3A_14 = arith.constant 79 : i32
      %mul3A_15 = arith.muli %add3A, %mul3A_14 : i32
      %add3A_16 = arith.addi %mul3A_15, %scan3A_13 : i32
      "tpu.region"() ({
        %run_scoped3A_29 = tpu.sem_alloc : memref<!tpu.dma_semaphore, #tpu.memory_space<semaphore_mem>>
        %dma_start3A_30 = arith.constant 0 : i32
        %dma_start3A_31 = arith.constant 0 : i32
        %dma_start3A_32 = tpu.memref_slice %arg3[%add3A_16, %dma_start3A_30, %dma_start3A_31] : memref<2528x2x128xi32, #tpu.memory_space<hbm>> -> memref<1x2x128xi32, #tpu.memory_space<hbm>>
        %dma_start3A_33 = tpu.memref_squeeze %dma_start3A_32 : memref<1x2x128xi32, #tpu.memory_space<hbm>> -> memref<2x128xi32, #tpu.memory_space<hbm>>
        %dma_start3A_34 = arith.constant 0 : i32
        %dma_start3A_35 = arith.constant 0 : i32
        %dma_start3A_36 = tpu.memref_slice %arg3[%add3A_16, %dma_start3A_34, %dma_start3A_35] : memref<2528x2x128xi32, #tpu.memory_space<hbm>> -> memref<1x2x128xi32, #tpu.memory_space<hbm>>
        %dma_start3A_37 = tpu.memref_squeeze %dma_start3A_36 : memref<1x2x128xi32, #tpu.memory_space<hbm>> -> memref<2x128xi32, #tpu.memory_space<hbm>>
        tpu.enqueue_dma source(%dma_start3A_37 : memref<2x128xi32, #tpu.memory_space<hbm>>) target(%arg6 : memref<2x128xi32, #tpu.memory_space<vmem>>) target_semaphore(%run_scoped3A_29 : memref<!tpu.dma_semaphore, #tpu.memory_space<semaphore_mem>>)
        %dma_wait3A_38 = arith.constant 0 : i32
        %dma_wait3A_39 = arith.constant 0 : i32
        %dma_wait3A_40 = tpu.memref_slice %arg3[%add3A_16, %dma_wait3A_38, %dma_wait3A_39] : memref<2528x2x128xi32, #tpu.memory_space<hbm>> -> memref<1x2x128xi32, #tpu.memory_space<hbm>>
        %dma_wait3A_41 = tpu.memref_squeeze %dma_wait3A_40 : memref<1x2x128xi32, #tpu.memory_space<hbm>> -> memref<2x128xi32, #tpu.memory_space<hbm>>
        %dma_wait3A_42 = arith.constant 0 : i32
        %dma_wait3A_43 = arith.constant 0 : i32
        %dma_wait3A_44 = tpu.memref_slice %arg3[%add3A_16, %dma_wait3A_42, %dma_wait3A_43] : memref<2528x2x128xi32, #tpu.memory_space<hbm>> -> memref<1x2x128xi32, #tpu.memory_space<hbm>>
        %dma_wait3A_45 = tpu.memref_squeeze %dma_wait3A_44 : memref<1x2x128xi32, #tpu.memory_space<hbm>> -> memref<2x128xi32, #tpu.memory_space<hbm>>
        tpu.wait_dma2 semaphore(%run_scoped3A_29 : memref<!tpu.dma_semaphore, #tpu.memory_space<semaphore_mem>>) src(%dma_wait3A_45 : memref<2x128xi32, #tpu.memory_space<hbm>>) dst(%arg6 : memref<2x128xi32, #tpu.memory_space<vmem>>)
        tpu.yield
      }) : () -> ()
      %dma_start3A = arith.constant 0 : i32
      %dma_start3A_17 = arith.constant 0 : i32
      %dma_start3A_18 = tpu.memref_slice %arg6[%dma_start3A, %dma_start3A_17] : memref<2x128xi32, #tpu.memory_space<vmem>> -> memref<1x128xi32, #tpu.memory_space<vmem>>
      %dma_start3A_19 = tpu.memref_squeeze %dma_start3A_18 : memref<1x128xi32, #tpu.memory_space<vmem>> -> memref<128xi32, #tpu.memory_space<vmem>>
      %dma_start3A_20 = arith.constant 0 : i32
      %dma_start3A_21 = arith.constant 0 : i32
      %dma_start3A_22 = tpu.memref_slice %arg2[%dma_start3A_20, %dma_start3A_21] : memref<10000x128xf32, #tpu.memory_space<hbm>> -> memref<10000x128xf32, #tpu.memory_space<hbm>>
      tpu.enqueue_indirect_dma source(%dma_start3A_22 : memref<10000x128xf32, #tpu.memory_space<hbm>>) target(%arg7 : memref<128x128xf32, #tpu.memory_space<vmem>>) offsets(%dma_start3A_19 : memref<128xi32, #tpu.memory_space<vmem>>) semaphore(%arg8 : memref<!tpu.dma_semaphore, #tpu.memory_space<semaphore_mem>>)
      %dma_wait3A = arith.constant 0 : i32
      %dma_wait3A_23 = arith.constant 0 : i32
      %dma_wait3A_24 = tpu.memref_slice %arg6[%dma_wait3A, %dma_wait3A_23] : memref<2x128xi32, #tpu.memory_space<vmem>> -> memref<1x128xi32, #tpu.memory_space<vmem>>
      %dma_wait3A_25 = tpu.memref_squeeze %dma_wait3A_24 : memref<1x128xi32, #tpu.memory_space<vmem>> -> memref<128xi32, #tpu.memory_space<vmem>>
      %dma_wait3A_26 = arith.constant 0 : i32
      %dma_wait3A_27 = arith.constant 0 : i32
      %dma_wait3A_28 = tpu.memref_slice %arg2[%dma_wait3A_26, %dma_wait3A_27] : memref<10000x128xf32, #tpu.memory_space<hbm>> -> memref<10000x128xf32, #tpu.memory_space<hbm>>
      tpu.wait_indirect_dma semaphore(%arg8 : memref<!tpu.dma_semaphore, #tpu.memory_space<semaphore_mem>>) src(%dma_wait3A_28 : memref<10000x128xf32, #tpu.memory_space<hbm>>) dst(%arg7 : memref<128x128xf32, #tpu.memory_space<vmem>>)
      %run_scoped3A = arith.constant 1 : i32
      "tpu.region"() ({
        %run_scoped3A_29 = tpu.sem_alloc : memref<!tpu.dma_semaphore, #tpu.memory_space<semaphore_mem>>
        %dma_start3A_30 = arith.constant 0 : i32
        %dma_start3A_31 = tpu.memref_slice %arg6[%run_scoped3A, %dma_start3A_30] : memref<2x128xi32, #tpu.memory_space<vmem>> -> memref<1x128xi32, #tpu.memory_space<vmem>>
        %dma_start3A_32 = tpu.memref_squeeze %dma_start3A_31 : memref<1x128xi32, #tpu.memory_space<vmem>> -> memref<128xi32, #tpu.memory_space<vmem>>
        %dma_start3A_33 = arith.constant 0 : i32
        %dma_start3A_34 = arith.constant 0 : i32
        %dma_start3A_35 = tpu.memref_slice %arg9[%dma_start3A_33, %dma_start3A_34] : memref<10112x128xf32, #tpu.memory_space<vmem_shared>> -> memref<10112x128xf32, #tpu.memory_space<vmem_shared>>
        tpu.enqueue_indirect_dma source(%arg7 : memref<128x128xf32, #tpu.memory_space<vmem>>) target(%dma_start3A_35 : memref<10112x128xf32, #tpu.memory_space<vmem_shared>>) offsets(%dma_start3A_32 : memref<128xi32, #tpu.memory_space<vmem>>) semaphore(%run_scoped3A_29 : memref<!tpu.dma_semaphore, #tpu.memory_space<semaphore_mem>>) {add = true}
        %dma_wait3A_36 = arith.constant 0 : i32
        %dma_wait3A_37 = tpu.memref_slice %arg6[%run_scoped3A, %dma_wait3A_36] : memref<2x128xi32, #tpu.memory_space<vmem>> -> memref<1x128xi32, #tpu.memory_space<vmem>>
        %dma_wait3A_38 = tpu.memref_squeeze %dma_wait3A_37 : memref<1x128xi32, #tpu.memory_space<vmem>> -> memref<128xi32, #tpu.memory_space<vmem>>
        %dma_wait3A_39 = arith.constant 0 : i32
        %dma_wait3A_40 = arith.constant 0 : i32
        %dma_wait3A_41 = tpu.memref_slice %arg9[%dma_wait3A_39, %dma_wait3A_40] : memref<10112x128xf32, #tpu.memory_space<vmem_shared>> -> memref<10112x128xf32, #tpu.memory_space<vmem_shared>>
        tpu.wait_indirect_dma semaphore(%run_scoped3A_29 : memref<!tpu.dma_semaphore, #tpu.memory_space<semaphore_mem>>) src(%arg7 : memref<128x128xf32, #tpu.memory_space<vmem>>) dst(%dma_wait3A_41 : memref<10112x128xf32, #tpu.memory_space<vmem_shared>>)
        tpu.yield
      }) : () -> ()
    }
    %scan3A_7 = arith.constant 79 : i32
    %barrier3A_8 = arith.constant 0 : index
    tpu.barrier barrier_id(%barrier3A_8)
    %mul3A_9 = arith.constant 632 : i32
    %mul3A_10 = arith.muli %arg1, %mul3A_9 : i32
    %mul3A_11 = arith.constant 632 : i32
    %mul3A_12 = arith.muli %arg1, %mul3A_11 : i32
    "tpu.region"() ({
      %run_scoped3A = tpu.sem_alloc : memref<!tpu.dma_semaphore, #tpu.memory_space<semaphore_mem>>
      %dma_start3A = arith.constant 0 : i32
      %dma_start3A_13 = tpu.memref_slice %arg5[%arg0, %mul3A_12, %dma_start3A] : memref<2x10112x128xf32, #tpu.memory_space<hbm>> -> memref<1x632x128xf32, #tpu.memory_space<hbm>>
      %dma_start3A_14 = tpu.memref_squeeze %dma_start3A_13 : memref<1x632x128xf32, #tpu.memory_space<hbm>> -> memref<632x128xf32, #tpu.memory_space<hbm>>
      %dma_start3A_15 = arith.constant 0 : i32
      %dma_start3A_16 = tpu.memref_slice %arg9[%mul3A_10, %dma_start3A_15] : memref<10112x128xf32, #tpu.memory_space<vmem_shared>> -> memref<632x128xf32, #tpu.memory_space<vmem_shared>>
      tpu.enqueue_dma source(%dma_start3A_16 : memref<632x128xf32, #tpu.memory_space<vmem_shared>>) target(%dma_start3A_14 : memref<632x128xf32, #tpu.memory_space<hbm>>) target_semaphore(%run_scoped3A : memref<!tpu.dma_semaphore, #tpu.memory_space<semaphore_mem>>)
      %dma_wait3A = arith.constant 0 : i32
      %dma_wait3A_17 = tpu.memref_slice %arg5[%arg0, %mul3A_12, %dma_wait3A] : memref<2x10112x128xf32, #tpu.memory_space<hbm>> -> memref<1x632x128xf32, #tpu.memory_space<hbm>>
      %dma_wait3A_18 = tpu.memref_squeeze %dma_wait3A_17 : memref<1x632x128xf32, #tpu.memory_space<hbm>> -> memref<632x128xf32, #tpu.memory_space<hbm>>
      %dma_wait3A_19 = arith.constant 0 : i32
      %dma_wait3A_20 = tpu.memref_slice %arg9[%mul3A_10, %dma_wait3A_19] : memref<10112x128xf32, #tpu.memory_space<vmem_shared>> -> memref<632x128xf32, #tpu.memory_space<vmem_shared>>
      tpu.wait_dma2 semaphore(%run_scoped3A : memref<!tpu.dma_semaphore, #tpu.memory_space<semaphore_mem>>) src(%dma_wait3A_20 : memref<632x128xf32, #tpu.memory_space<vmem_shared>>) dst(%dma_wait3A_18 : memref<632x128xf32, #tpu.memory_space<hbm>>)
      tpu.yield
    }) : () -> ()
    return
  }
}

#map = affine_map<(d0, d1) -> (0, 0, 0)>
#map1 = affine_map<(d0, d1) -> (0, 0)>
module attributes {stable_mosaic.version = 14 : i64} {
  func.func @_deg_body(%arg0: i32, %arg1: i32, %arg2: memref<2528x2x128xi32, #tpu.memory_space<hbm>>, %arg3: memref<128x128xf32, #tpu.memory_space<hbm>>, %arg4: memref<632x128xf32, #tpu.memory_space<hbm>>, %arg5: memref<2x10112x128xf32, #tpu.memory_space<hbm>>, %arg6: memref<2x128xi32, #tpu.memory_space<vmem>>, %arg7: memref<128x128xf32, #tpu.memory_space<vmem>>, %arg8: memref<10112x128xf32, #tpu.memory_space<vmem_shared>>) attributes {dimension_semantics = [#tpu.dimension_semantics<core_parallel>, #tpu.dimension_semantics<subcore_parallel>], iteration_bounds = array<i64: 2, 16>, scalar_prefetch = 0 : i64, scratch_operands = 3 : i64, tpu.core_type = #tpu.core_type<sc_vector_subcore>, window_params = [{transform_indices = #map}, {transform_indices = #map1}, {transform_indices = #map1}, {transform_indices = #map}]} {
    %mul3A = arith.constant 16 : i32
    %mul3A_0 = arith.muli %arg0, %mul3A : i32
    %add3A = arith.addi %mul3A_0, %arg1 : i32
    %mul3A_1 = arith.constant 632 : i32
    %mul3A_2 = arith.muli %arg1, %mul3A_1 : i32
    "tpu.region"() ({
      %run_scoped3A = tpu.sem_alloc : memref<!tpu.dma_semaphore, #tpu.memory_space<semaphore_mem>>
      %dma_start3A = arith.constant 0 : i32
      %dma_start3A_13 = tpu.memref_slice %arg8[%mul3A_2, %dma_start3A] : memref<10112x128xf32, #tpu.memory_space<vmem_shared>> -> memref<632x128xf32, #tpu.memory_space<vmem_shared>>
      tpu.enqueue_dma source(%arg4 : memref<632x128xf32, #tpu.memory_space<hbm>>) target(%dma_start3A_13 : memref<632x128xf32, #tpu.memory_space<vmem_shared>>) target_semaphore(%run_scoped3A : memref<!tpu.dma_semaphore, #tpu.memory_space<semaphore_mem>>)
      %dma_wait3A = arith.constant 0 : i32
      %dma_wait3A_14 = tpu.memref_slice %arg8[%mul3A_2, %dma_wait3A] : memref<10112x128xf32, #tpu.memory_space<vmem_shared>> -> memref<632x128xf32, #tpu.memory_space<vmem_shared>>
      tpu.wait_dma2 semaphore(%run_scoped3A : memref<!tpu.dma_semaphore, #tpu.memory_space<semaphore_mem>>) src(%arg4 : memref<632x128xf32, #tpu.memory_space<hbm>>) dst(%dma_wait3A_14 : memref<632x128xf32, #tpu.memory_space<vmem_shared>>)
      tpu.yield
    }) : () -> ()
    "tpu.region"() ({
      %run_scoped3A = tpu.sem_alloc : memref<!tpu.dma_semaphore, #tpu.memory_space<semaphore_mem>>
      tpu.enqueue_dma source(%arg3 : memref<128x128xf32, #tpu.memory_space<hbm>>) target(%arg7 : memref<128x128xf32, #tpu.memory_space<vmem>>) target_semaphore(%run_scoped3A : memref<!tpu.dma_semaphore, #tpu.memory_space<semaphore_mem>>)
      tpu.wait_dma2 semaphore(%run_scoped3A : memref<!tpu.dma_semaphore, #tpu.memory_space<semaphore_mem>>) src(%arg3 : memref<128x128xf32, #tpu.memory_space<hbm>>) dst(%arg7 : memref<128x128xf32, #tpu.memory_space<vmem>>)
      tpu.yield
    }) : () -> ()
    %barrier3A = arith.constant 0 : index
    tpu.barrier barrier_id(%barrier3A)
    %scan3A = arith.constant 0 : i32
    %scan3A_3 = arith.constant 0 : i32
    %scan3A_4 = arith.constant 79 : i32
    %scan3A_5 = arith.addi %scan3A_3, %scan3A_4 : i32
    %scan3A_6 = arith.constant 1 : i32
    scf.for %scan3A_13 = %scan3A_3 to %scan3A_5 step %scan3A_6  : i32 {
      %mul3A_14 = arith.constant 79 : i32
      %mul3A_15 = arith.muli %add3A, %mul3A_14 : i32
      %add3A_16 = arith.addi %mul3A_15, %scan3A_13 : i32
      "tpu.region"() ({
        %run_scoped3A_17 = tpu.sem_alloc : memref<!tpu.dma_semaphore, #tpu.memory_space<semaphore_mem>>
        %dma_start3A = arith.constant 0 : i32
        %dma_start3A_18 = arith.constant 0 : i32
        %dma_start3A_19 = tpu.memref_slice %arg2[%add3A_16, %dma_start3A, %dma_start3A_18] : memref<2528x2x128xi32, #tpu.memory_space<hbm>> -> memref<1x2x128xi32, #tpu.memory_space<hbm>>
        %dma_start3A_20 = tpu.memref_squeeze %dma_start3A_19 : memref<1x2x128xi32, #tpu.memory_space<hbm>> -> memref<2x128xi32, #tpu.memory_space<hbm>>
        %dma_start3A_21 = arith.constant 0 : i32
        %dma_start3A_22 = arith.constant 0 : i32
        %dma_start3A_23 = tpu.memref_slice %arg2[%add3A_16, %dma_start3A_21, %dma_start3A_22] : memref<2528x2x128xi32, #tpu.memory_space<hbm>> -> memref<1x2x128xi32, #tpu.memory_space<hbm>>
        %dma_start3A_24 = tpu.memref_squeeze %dma_start3A_23 : memref<1x2x128xi32, #tpu.memory_space<hbm>> -> memref<2x128xi32, #tpu.memory_space<hbm>>
        tpu.enqueue_dma source(%dma_start3A_24 : memref<2x128xi32, #tpu.memory_space<hbm>>) target(%arg6 : memref<2x128xi32, #tpu.memory_space<vmem>>) target_semaphore(%run_scoped3A_17 : memref<!tpu.dma_semaphore, #tpu.memory_space<semaphore_mem>>)
        %dma_wait3A = arith.constant 0 : i32
        %dma_wait3A_25 = arith.constant 0 : i32
        %dma_wait3A_26 = tpu.memref_slice %arg2[%add3A_16, %dma_wait3A, %dma_wait3A_25] : memref<2528x2x128xi32, #tpu.memory_space<hbm>> -> memref<1x2x128xi32, #tpu.memory_space<hbm>>
        %dma_wait3A_27 = tpu.memref_squeeze %dma_wait3A_26 : memref<1x2x128xi32, #tpu.memory_space<hbm>> -> memref<2x128xi32, #tpu.memory_space<hbm>>
        %dma_wait3A_28 = arith.constant 0 : i32
        %dma_wait3A_29 = arith.constant 0 : i32
        %dma_wait3A_30 = tpu.memref_slice %arg2[%add3A_16, %dma_wait3A_28, %dma_wait3A_29] : memref<2528x2x128xi32, #tpu.memory_space<hbm>> -> memref<1x2x128xi32, #tpu.memory_space<hbm>>
        %dma_wait3A_31 = tpu.memref_squeeze %dma_wait3A_30 : memref<1x2x128xi32, #tpu.memory_space<hbm>> -> memref<2x128xi32, #tpu.memory_space<hbm>>
        tpu.wait_dma2 semaphore(%run_scoped3A_17 : memref<!tpu.dma_semaphore, #tpu.memory_space<semaphore_mem>>) src(%dma_wait3A_31 : memref<2x128xi32, #tpu.memory_space<hbm>>) dst(%arg6 : memref<2x128xi32, #tpu.memory_space<vmem>>)
        tpu.yield
      }) : () -> ()
      %run_scoped3A = arith.constant 1 : i32
      "tpu.region"() ({
        %run_scoped3A_17 = tpu.sem_alloc : memref<!tpu.dma_semaphore, #tpu.memory_space<semaphore_mem>>
        %dma_start3A = arith.constant 0 : i32
        %dma_start3A_18 = tpu.memref_slice %arg6[%run_scoped3A, %dma_start3A] : memref<2x128xi32, #tpu.memory_space<vmem>> -> memref<1x128xi32, #tpu.memory_space<vmem>>
        %dma_start3A_19 = tpu.memref_squeeze %dma_start3A_18 : memref<1x128xi32, #tpu.memory_space<vmem>> -> memref<128xi32, #tpu.memory_space<vmem>>
        %dma_start3A_20 = arith.constant 0 : i32
        %dma_start3A_21 = arith.constant 0 : i32
        %dma_start3A_22 = tpu.memref_slice %arg8[%dma_start3A_20, %dma_start3A_21] : memref<10112x128xf32, #tpu.memory_space<vmem_shared>> -> memref<10112x128xf32, #tpu.memory_space<vmem_shared>>
        tpu.enqueue_indirect_dma source(%arg7 : memref<128x128xf32, #tpu.memory_space<vmem>>) target(%dma_start3A_22 : memref<10112x128xf32, #tpu.memory_space<vmem_shared>>) offsets(%dma_start3A_19 : memref<128xi32, #tpu.memory_space<vmem>>) semaphore(%run_scoped3A_17 : memref<!tpu.dma_semaphore, #tpu.memory_space<semaphore_mem>>) {add = true}
        %dma_wait3A = arith.constant 0 : i32
        %dma_wait3A_23 = tpu.memref_slice %arg6[%run_scoped3A, %dma_wait3A] : memref<2x128xi32, #tpu.memory_space<vmem>> -> memref<1x128xi32, #tpu.memory_space<vmem>>
        %dma_wait3A_24 = tpu.memref_squeeze %dma_wait3A_23 : memref<1x128xi32, #tpu.memory_space<vmem>> -> memref<128xi32, #tpu.memory_space<vmem>>
        %dma_wait3A_25 = arith.constant 0 : i32
        %dma_wait3A_26 = arith.constant 0 : i32
        %dma_wait3A_27 = tpu.memref_slice %arg8[%dma_wait3A_25, %dma_wait3A_26] : memref<10112x128xf32, #tpu.memory_space<vmem_shared>> -> memref<10112x128xf32, #tpu.memory_space<vmem_shared>>
        tpu.wait_indirect_dma semaphore(%run_scoped3A_17 : memref<!tpu.dma_semaphore, #tpu.memory_space<semaphore_mem>>) src(%arg7 : memref<128x128xf32, #tpu.memory_space<vmem>>) dst(%dma_wait3A_27 : memref<10112x128xf32, #tpu.memory_space<vmem_shared>>)
        tpu.yield
      }) : () -> ()
    }
    %scan3A_7 = arith.constant 79 : i32
    %barrier3A_8 = arith.constant 0 : index
    tpu.barrier barrier_id(%barrier3A_8)
    %mul3A_9 = arith.constant 632 : i32
    %mul3A_10 = arith.muli %arg1, %mul3A_9 : i32
    %mul3A_11 = arith.constant 632 : i32
    %mul3A_12 = arith.muli %arg1, %mul3A_11 : i32
    "tpu.region"() ({
      %run_scoped3A = tpu.sem_alloc : memref<!tpu.dma_semaphore, #tpu.memory_space<semaphore_mem>>
      %dma_start3A = arith.constant 0 : i32
      %dma_start3A_13 = tpu.memref_slice %arg5[%arg0, %mul3A_12, %dma_start3A] : memref<2x10112x128xf32, #tpu.memory_space<hbm>> -> memref<1x632x128xf32, #tpu.memory_space<hbm>>
      %dma_start3A_14 = tpu.memref_squeeze %dma_start3A_13 : memref<1x632x128xf32, #tpu.memory_space<hbm>> -> memref<632x128xf32, #tpu.memory_space<hbm>>
      %dma_start3A_15 = arith.constant 0 : i32
      %dma_start3A_16 = tpu.memref_slice %arg8[%mul3A_10, %dma_start3A_15] : memref<10112x128xf32, #tpu.memory_space<vmem_shared>> -> memref<632x128xf32, #tpu.memory_space<vmem_shared>>
      tpu.enqueue_dma source(%dma_start3A_16 : memref<632x128xf32, #tpu.memory_space<vmem_shared>>) target(%dma_start3A_14 : memref<632x128xf32, #tpu.memory_space<hbm>>) target_semaphore(%run_scoped3A : memref<!tpu.dma_semaphore, #tpu.memory_space<semaphore_mem>>)
      %dma_wait3A = arith.constant 0 : i32
      %dma_wait3A_17 = tpu.memref_slice %arg5[%arg0, %mul3A_12, %dma_wait3A] : memref<2x10112x128xf32, #tpu.memory_space<hbm>> -> memref<1x632x128xf32, #tpu.memory_space<hbm>>
      %dma_wait3A_18 = tpu.memref_squeeze %dma_wait3A_17 : memref<1x632x128xf32, #tpu.memory_space<hbm>> -> memref<632x128xf32, #tpu.memory_space<hbm>>
      %dma_wait3A_19 = arith.constant 0 : i32
      %dma_wait3A_20 = tpu.memref_slice %arg8[%mul3A_10, %dma_wait3A_19] : memref<10112x128xf32, #tpu.memory_space<vmem_shared>> -> memref<632x128xf32, #tpu.memory_space<vmem_shared>>
      tpu.wait_dma2 semaphore(%run_scoped3A : memref<!tpu.dma_semaphore, #tpu.memory_space<semaphore_mem>>) src(%dma_wait3A_20 : memref<632x128xf32, #tpu.memory_space<vmem_shared>>) dst(%dma_wait3A_18 : memref<632x128xf32, #tpu.memory_space<hbm>>)
      tpu.yield
    }) : () -> ()
    return
  }
}

module attributes {stable_mosaic.version = 14 : i64} {
  func.func @_mm1_body(%arg0: i32, %arg1: memref<2000x128xf32, #tpu.memory_space<vmem>>, %arg2: memref<128x128xf32, #tpu.memory_space<vmem>>, %arg3: memref<2x2000x128xf32, #tpu.memory_space<vmem>>, %arg4: memref<2000x128xf32, #tpu.memory_space<vmem>>) attributes {dimension_semantics = [#tpu.dimension_semantics<arbitrary>], iteration_bounds = array<i64: 5>, scalar_prefetch = 0 : i64, scratch_operands = 0 : i64, tpu.core_type = #tpu.core_type<tc>, window_params = [{transform_indices = @transform_0, window_bounds = array<i64: 2000, 128>}, {pipeline_mode = #tpu.pipeline_mode<synchronous>, transform_indices = @transform_1, window_bounds = array<i64: 128, 128>}, {transform_indices = @transform_2, window_bounds = array<i64: 2, 2000, 128>}, {transform_indices = @transform_3, window_bounds = array<i64: 2000, 128>}]} {
    %get3A = arith.constant 0 : index
    %get3A_0 = arith.constant 0 : index
    %get3A_1 = arith.constant 0 : index
    %get3A_2 = vector.load %arg3[%get3A, %get3A_0, %get3A_1] : memref<2x2000x128xf32, #tpu.memory_space<vmem>>, vector<1x2000x128xf32>
    %get3A_3 = vector.shape_cast %get3A_2 : vector<1x2000x128xf32> to vector<2000x128xf32>
    %get3A_4 = arith.constant 1 : index
    %get3A_5 = arith.constant 0 : index
    %get3A_6 = arith.constant 0 : index
    %get3A_7 = vector.load %arg3[%get3A_4, %get3A_5, %get3A_6] : memref<2x2000x128xf32, #tpu.memory_space<vmem>>, vector<1x2000x128xf32>
    %get3A_8 = vector.shape_cast %get3A_7 : vector<1x2000x128xf32> to vector<2000x128xf32>
    %add3A = arith.addf %get3A_3, %get3A_8 : vector<2000x128xf32>
    %add3A_9 = arith.constant 1.000000e+00 : f32
    %add3A_10 = vector.broadcast %add3A_9 : f32 to vector<2000x128xf32>
    %add3A_11 = arith.addf %add3A, %add3A_10 : vector<2000x128xf32>
    %rsqrt3A = math.rsqrt %add3A_11 : vector<2000x128xf32>
    %get3A_12 = arith.constant 0 : index
    %get3A_13 = arith.constant 0 : index
    %get3A_14 = vector.load %arg1[%get3A_12, %get3A_13] : memref<2000x128xf32, #tpu.memory_space<vmem>>, vector<2000x128xf32>
    %get3A_15 = arith.constant 0 : index
    %get3A_16 = arith.constant 0 : index
    %get3A_17 = vector.load %arg2[%get3A_15, %get3A_16] : memref<128x128xf32, #tpu.memory_space<vmem>>, vector<128x128xf32>
    %dot_general3A = arith.constant dense<0.000000e+00> : vector<2000x128xf32>
    %dot_general3A_18 = tpu.matmul %get3A_14, %get3A_17, %dot_general3A {dimension_numbers = #tpu.dot_dimension_numbers<[1], [0], [0], [1], [0, 0, 1, 1], [], []>, transpose_lhs_hint = false} : vector<2000x128xf32>, vector<128x128xf32>, vector<2000x128xf32> -> vector<2000x128xf32>
    %mul3A = arith.mulf %dot_general3A_18, %rsqrt3A : vector<2000x128xf32>
    %swap3A = arith.constant 0 : index
    %swap3A_19 = arith.constant 0 : index
    %swap3A_20 = vector.load %arg4[%swap3A, %swap3A_19] : memref<2000x128xf32, #tpu.memory_space<vmem>>, vector<2000x128xf32>
    tpu.vector_store %arg4[%swap3A, %swap3A_19], %mul3A {strides = array<i32>} : memref<2000x128xf32, #tpu.memory_space<vmem>>, vector<2000x128xf32>,
    return
  }
  func.func @transform_0(%arg0: i32) -> (i32, i32) {
    %c0_i32 = arith.constant 0 : i32
    %c0_i32_0 = arith.constant 0 : i32
    return %arg0, %c0_i32 : i32, i32
  }
  func.func @transform_1(%arg0: i32) -> (i32, i32) {
    %c0_i32 = arith.constant 0 : i32
    %c0_i32_0 = arith.constant 0 : i32
    %c0_i32_1 = arith.constant 0 : i32
    return %c0_i32, %c0_i32_0 : i32, i32
  }
  func.func @transform_2(%arg0: i32) -> (i32, i32, i32) {
    %c0_i32 = arith.constant 0 : i32
    %c0_i32_0 = arith.constant 0 : i32
    %c0_i32_1 = arith.constant 0 : i32
    return %c0_i32, %arg0, %c0_i32_0 : i32, i32, i32
  }
  func.func @transform_3(%arg0: i32) -> (i32, i32) {
    %c0_i32 = arith.constant 0 : i32
    %c0_i32_0 = arith.constant 0 : i32
    return %arg0, %c0_i32 : i32, i32
  }
}

module attributes {stable_mosaic.version = 14 : i64} {
  func.func @_mm2_body(%arg0: i32, %arg1: memref<2x2000x128xf32, #tpu.memory_space<vmem>>, %arg2: memref<2000x128xf32, #tpu.memory_space<vmem>>, %arg3: memref<2x2000x128xf32, #tpu.memory_space<vmem>>, %arg4: memref<1x128xf32, #tpu.memory_space<vmem>>, %arg5: memref<1x128xf32, #tpu.memory_space<vmem>>, %arg6: memref<1x128xf32, #tpu.memory_space<vmem>>, %arg7: memref<128x128xf32, #tpu.memory_space<vmem>>, %arg8: memref<2000x128xf32, #tpu.memory_space<vmem>>) attributes {dimension_semantics = [#tpu.dimension_semantics<arbitrary>], iteration_bounds = array<i64: 5>, scalar_prefetch = 0 : i64, scratch_operands = 0 : i64, tpu.core_type = #tpu.core_type<tc>, window_params = [{transform_indices = @transform_0, window_bounds = array<i64: 2, 2000, 128>}, {transform_indices = @transform_1, window_bounds = array<i64: 2000, 128>}, {transform_indices = @transform_2, window_bounds = array<i64: 2, 2000, 128>}, {pipeline_mode = #tpu.pipeline_mode<synchronous>, transform_indices = @transform_3, window_bounds = array<i64: 1, 128>}, {pipeline_mode = #tpu.pipeline_mode<synchronous>, transform_indices = @transform_4, window_bounds = array<i64: 1, 128>}, {pipeline_mode = #tpu.pipeline_mode<synchronous>, transform_indices = @transform_5, window_bounds = array<i64: 1, 128>}, {pipeline_mode = #tpu.pipeline_mode<synchronous>, transform_indices = @transform_6, window_bounds = array<i64: 128, 128>}, {transform_indices = @transform_7, window_bounds = array<i64: 2000, 128>}]} {
    %get3A = arith.constant 0 : index
    %get3A_0 = arith.constant 0 : index
    %get3A_1 = arith.constant 0 : index
    %get3A_2 = vector.load %arg3[%get3A, %get3A_0, %get3A_1] : memref<2x2000x128xf32, #tpu.memory_space<vmem>>, vector<1x2000x128xf32>
    %get3A_3 = vector.shape_cast %get3A_2 : vector<1x2000x128xf32> to vector<2000x128xf32>
    %get3A_4 = arith.constant 1 : index
    %get3A_5 = arith.constant 0 : index
    %get3A_6 = arith.constant 0 : index
    %get3A_7 = vector.load %arg3[%get3A_4, %get3A_5, %get3A_6] : memref<2x2000x128xf32, #tpu.memory_space<vmem>>, vector<1x2000x128xf32>
    %get3A_8 = vector.shape_cast %get3A_7 : vector<1x2000x128xf32> to vector<2000x128xf32>
    %add3A = arith.addf %get3A_3, %get3A_8 : vector<2000x128xf32>
    %add3A_9 = arith.constant 1.000000e+00 : f32
    %add3A_10 = vector.broadcast %add3A_9 : f32 to vector<2000x128xf32>
    %add3A_11 = arith.addf %add3A, %add3A_10 : vector<2000x128xf32>
    %rsqrt3A = math.rsqrt %add3A_11 : vector<2000x128xf32>
    %get3A_12 = arith.constant 0 : index
    %get3A_13 = arith.constant 0 : index
    %get3A_14 = arith.constant 0 : index
    %get3A_15 = vector.load %arg1[%get3A_12, %get3A_13, %get3A_14] : memref<2x2000x128xf32, #tpu.memory_space<vmem>>, vector<1x2000x128xf32>
    %get3A_16 = vector.shape_cast %get3A_15 : vector<1x2000x128xf32> to vector<2000x128xf32>
    %get3A_17 = arith.constant 1 : index
    %get3A_18 = arith.constant 0 : index
    %get3A_19 = arith.constant 0 : index
    %get3A_20 = vector.load %arg1[%get3A_17, %get3A_18, %get3A_19] : memref<2x2000x128xf32, #tpu.memory_space<vmem>>, vector<1x2000x128xf32>
    %get3A_21 = vector.shape_cast %get3A_20 : vector<1x2000x128xf32> to vector<2000x128xf32>
    %add3A_22 = arith.addf %get3A_16, %get3A_21 : vector<2000x128xf32>
    %get3A_23 = arith.constant 0 : index
    %get3A_24 = arith.constant 0 : index
    %get3A_25 = vector.load %arg2[%get3A_23, %get3A_24] : memref<2000x128xf32, #tpu.memory_space<vmem>>, vector<2000x128xf32>
    %add3A_26 = arith.addf %add3A_22, %get3A_25 : vector<2000x128xf32>
    %mul3A = arith.mulf %add3A_26, %rsqrt3A : vector<2000x128xf32>
    %get3A_27 = arith.constant 0 : index
    %get3A_28 = arith.constant 0 : index
    %get3A_29 = vector.load %arg4[%get3A_27, %get3A_28] : memref<1x128xf32, #tpu.memory_space<vmem>>, vector<1x128xf32>
    %add3A_30 = vector.broadcast %get3A_29 : vector<1x128xf32> to vector<2000x128xf32>
    %add3A_31 = arith.addf %mul3A, %add3A_30 : vector<2000x128xf32>
    %get3A_32 = arith.constant 0 : index
    %get3A_33 = arith.constant 0 : index
    %get3A_34 = vector.load %arg5[%get3A_32, %get3A_33] : memref<1x128xf32, #tpu.memory_space<vmem>>, vector<1x128xf32>
    %mul3A_35 = arith.constant 0.999994993 : f32
    %mul3A_36 = vector.broadcast %mul3A_35 : f32 to vector<1x128xf32>
    %mul3A_37 = arith.mulf %get3A_34, %mul3A_36 : vector<1x128xf32>
    %mul3A_38 = vector.broadcast %mul3A_37 : vector<1x128xf32> to vector<2000x128xf32>
    %mul3A_39 = arith.mulf %add3A_31, %mul3A_38 : vector<2000x128xf32>
    %get3A_40 = arith.constant 0 : index
    %get3A_41 = arith.constant 0 : index
    %get3A_42 = vector.load %arg6[%get3A_40, %get3A_41] : memref<1x128xf32, #tpu.memory_space<vmem>>, vector<1x128xf32>
    %add3A_43 = vector.broadcast %get3A_42 : vector<1x128xf32> to vector<2000x128xf32>
    %add3A_44 = arith.addf %mul3A_39, %add3A_43 : vector<2000x128xf32>
    %max3A = arith.constant 0.000000e+00 : f32
    %max3A_45 = vector.broadcast %max3A : f32 to vector<2000x128xf32>
    %max3A_46 = arith.maximumf %add3A_44, %max3A_45 : vector<2000x128xf32>
    %get3A_47 = arith.constant 0 : index
    %get3A_48 = arith.constant 0 : index
    %get3A_49 = vector.load %arg7[%get3A_47, %get3A_48] : memref<128x128xf32, #tpu.memory_space<vmem>>, vector<128x128xf32>
    %dot_general3A = arith.constant dense<0.000000e+00> : vector<2000x128xf32>
    %dot_general3A_50 = tpu.matmul %max3A_46, %get3A_49, %dot_general3A {dimension_numbers = #tpu.dot_dimension_numbers<[1], [0], [0], [1], [0, 0, 1, 1], [], []>, transpose_lhs_hint = false} : vector<2000x128xf32>, vector<128x128xf32>, vector<2000x128xf32> -> vector<2000x128xf32>
    %mul3A_51 = arith.mulf %dot_general3A_50, %rsqrt3A : vector<2000x128xf32>
    %swap3A = arith.constant 0 : index
    %swap3A_52 = arith.constant 0 : index
    %swap3A_53 = vector.load %arg8[%swap3A, %swap3A_52] : memref<2000x128xf32, #tpu.memory_space<vmem>>, vector<2000x128xf32>
    tpu.vector_store %arg8[%swap3A, %swap3A_52], %mul3A_51 {strides = array<i32>} : memref<2000x128xf32, #tpu.memory_space<vmem>>, vector<2000x128xf32>,
    return
  }
  func.func @transform_0(%arg0: i32) -> (i32, i32, i32) {
    %c0_i32 = arith.constant 0 : i32
    %c0_i32_0 = arith.constant 0 : i32
    %c0_i32_1 = arith.constant 0 : i32
    return %c0_i32, %arg0, %c0_i32_0 : i32, i32, i32
  }
  func.func @transform_1(%arg0: i32) -> (i32, i32) {
    %c0_i32 = arith.constant 0 : i32
    %c0_i32_0 = arith.constant 0 : i32
    return %arg0, %c0_i32 : i32, i32
  }
  func.func @transform_2(%arg0: i32) -> (i32, i32, i32) {
    %c0_i32 = arith.constant 0 : i32
    %c0_i32_0 = arith.constant 0 : i32
    %c0_i32_1 = arith.constant 0 : i32
    return %c0_i32, %arg0, %c0_i32_0 : i32, i32, i32
  }
  func.func @transform_3(%arg0: i32) -> (i32, i32) {
    %c0_i32 = arith.constant 0 : i32
    %c0_i32_0 = arith.constant 0 : i32
    %c0_i32_1 = arith.constant 0 : i32
    return %c0_i32, %c0_i32_0 : i32, i32
  }
  func.func @transform_4(%arg0: i32) -> (i32, i32) {
    %c0_i32 = arith.constant 0 : i32
    %c0_i32_0 = arith.constant 0 : i32
    %c0_i32_1 = arith.constant 0 : i32
    return %c0_i32, %c0_i32_0 : i32, i32
  }
  func.func @transform_5(%arg0: i32) -> (i32, i32) {
    %c0_i32 = arith.constant 0 : i32
    %c0_i32_0 = arith.constant 0 : i32
    %c0_i32_1 = arith.constant 0 : i32
    return %c0_i32, %c0_i32_0 : i32, i32
  }
  func.func @transform_6(%arg0: i32) -> (i32, i32) {
    %c0_i32 = arith.constant 0 : i32
    %c0_i32_0 = arith.constant 0 : i32
    %c0_i32_1 = arith.constant 0 : i32
    return %c0_i32, %c0_i32_0 : i32, i32
  }
  func.func @transform_7(%arg0: i32) -> (i32, i32) {
    %c0_i32 = arith.constant 0 : i32
    %c0_i32_0 = arith.constant 0 : i32
    return %arg0, %c0_i32 : i32, i32
  }
}

module attributes {stable_mosaic.version = 14 : i64} {
  func.func @_fin_body(%arg0: i32, %arg1: memref<2x2000x128xf32, #tpu.memory_space<vmem>>, %arg2: memref<2000x128xf32, #tpu.memory_space<vmem>>, %arg3: memref<2x2000x128xf32, #tpu.memory_space<vmem>>, %arg4: memref<1x128xf32, #tpu.memory_space<vmem>>, %arg5: memref<2000x128xf32, #tpu.memory_space<vmem>>) attributes {dimension_semantics = [#tpu.dimension_semantics<arbitrary>], iteration_bounds = array<i64: 5>, scalar_prefetch = 0 : i64, scratch_operands = 0 : i64, tpu.core_type = #tpu.core_type<tc>, window_params = [{transform_indices = @transform_0, window_bounds = array<i64: 2, 2000, 128>}, {transform_indices = @transform_1, window_bounds = array<i64: 2000, 128>}, {transform_indices = @transform_2, window_bounds = array<i64: 2, 2000, 128>}, {pipeline_mode = #tpu.pipeline_mode<synchronous>, transform_indices = @transform_3, window_bounds = array<i64: 1, 128>}, {transform_indices = @transform_4, window_bounds = array<i64: 2000, 128>}]} {
    %get3A = arith.constant 0 : index
    %get3A_0 = arith.constant 0 : index
    %get3A_1 = arith.constant 0 : index
    %get3A_2 = vector.load %arg3[%get3A, %get3A_0, %get3A_1] : memref<2x2000x128xf32, #tpu.memory_space<vmem>>, vector<1x2000x128xf32>
    %get3A_3 = vector.shape_cast %get3A_2 : vector<1x2000x128xf32> to vector<2000x128xf32>
    %get3A_4 = arith.constant 1 : index
    %get3A_5 = arith.constant 0 : index
    %get3A_6 = arith.constant 0 : index
    %get3A_7 = vector.load %arg3[%get3A_4, %get3A_5, %get3A_6] : memref<2x2000x128xf32, #tpu.memory_space<vmem>>, vector<1x2000x128xf32>
    %get3A_8 = vector.shape_cast %get3A_7 : vector<1x2000x128xf32> to vector<2000x128xf32>
    %add3A = arith.addf %get3A_3, %get3A_8 : vector<2000x128xf32>
    %add3A_9 = arith.constant 1.000000e+00 : f32
    %add3A_10 = vector.broadcast %add3A_9 : f32 to vector<2000x128xf32>
    %add3A_11 = arith.addf %add3A, %add3A_10 : vector<2000x128xf32>
    %rsqrt3A = math.rsqrt %add3A_11 : vector<2000x128xf32>
    %get3A_12 = arith.constant 0 : index
    %get3A_13 = arith.constant 0 : index
    %get3A_14 = arith.constant 0 : index
    %get3A_15 = vector.load %arg1[%get3A_12, %get3A_13, %get3A_14] : memref<2x2000x128xf32, #tpu.memory_space<vmem>>, vector<1x2000x128xf32>
    %get3A_16 = vector.shape_cast %get3A_15 : vector<1x2000x128xf32> to vector<2000x128xf32>
    %get3A_17 = arith.constant 1 : index
    %get3A_18 = arith.constant 0 : index
    %get3A_19 = arith.constant 0 : index
    %get3A_20 = vector.load %arg1[%get3A_17, %get3A_18, %get3A_19] : memref<2x2000x128xf32, #tpu.memory_space<vmem>>, vector<1x2000x128xf32>
    %get3A_21 = vector.shape_cast %get3A_20 : vector<1x2000x128xf32> to vector<2000x128xf32>
    %add3A_22 = arith.addf %get3A_16, %get3A_21 : vector<2000x128xf32>
    %get3A_23 = arith.constant 0 : index
    %get3A_24 = arith.constant 0 : index
    %get3A_25 = vector.load %arg2[%get3A_23, %get3A_24] : memref<2000x128xf32, #tpu.memory_space<vmem>>, vector<2000x128xf32>
    %add3A_26 = arith.addf %add3A_22, %get3A_25 : vector<2000x128xf32>
    %mul3A = arith.mulf %add3A_26, %rsqrt3A : vector<2000x128xf32>
    %get3A_27 = arith.constant 0 : index
    %get3A_28 = arith.constant 0 : index
    %get3A_29 = vector.load %arg4[%get3A_27, %get3A_28] : memref<1x128xf32, #tpu.memory_space<vmem>>, vector<1x128xf32>
    %add3A_30 = vector.broadcast %get3A_29 : vector<1x128xf32> to vector<2000x128xf32>
    %add3A_31 = arith.addf %mul3A, %add3A_30 : vector<2000x128xf32>
    %swap3A = arith.constant 0 : index
    %swap3A_32 = arith.constant 0 : index
    %swap3A_33 = vector.load %arg5[%swap3A, %swap3A_32] : memref<2000x128xf32, #tpu.memory_space<vmem>>, vector<2000x128xf32>
    tpu.vector_store %arg5[%swap3A, %swap3A_32], %add3A_31 {strides = array<i32>} : memref<2000x128xf32, #tpu.memory_space<vmem>>, vector<2000x128xf32>,
    return
  }
  func.func @transform_0(%arg0: i32) -> (i32, i32, i32) {
    %c0_i32 = arith.constant 0 : i32
    %c0_i32_0 = arith.constant 0 : i32
    %c0_i32_1 = arith.constant 0 : i32
    return %c0_i32, %arg0, %c0_i32_0 : i32, i32, i32
  }
  func.func @transform_1(%arg0: i32) -> (i32, i32) {
    %c0_i32 = arith.constant 0 : i32
    %c0_i32_0 = arith.constant 0 : i32
    return %arg0, %c0_i32 : i32, i32
  }
  func.func @transform_2(%arg0: i32) -> (i32, i32, i32) {
    %c0_i32 = arith.constant 0 : i32
    %c0_i32_0 = arith.constant 0 : i32
    %c0_i32_1 = arith.constant 0 : i32
    return %c0_i32, %arg0, %c0_i32_0 : i32, i32, i32
  }
  func.func @transform_3(%arg0: i32) -> (i32, i32) {
    %c0_i32 = arith.constant 0 : i32
    %c0_i32_0 = arith.constant 0 : i32
    %c0_i32_1 = arith.constant 0 : i32
    return %c0_i32, %c0_i32_0 : i32, i32
  }
  func.func @transform_4(%arg0: i32) -> (i32, i32) {
    %c0_i32 = arith.constant 0 : i32
    %c0_i32_0 = arith.constant 0 : i32
    return %arg0, %c0_i32 : i32, i32
  }
}

</mosaic_0001>

<sc_bundles>
// kernel: kernel.11.cloned.1.call-start
scs
__scs_entry_jumppad:
0x0: {  	(pc) =	sbr.rel $0x88, $3  }
0x1: {  	(tag) =	ssettag $0x0;
	lr =	simm.s32 $0x1  }
0x2: {  	[smem:$0x3F99] =	sst lr;
	_ =	strace $0xD0000000  }
0x3: {  	_ = 	snop  }
0x4: {  	_ = 	snop  }
0x5: {  	_ = 	snop  }
0x6: {  	_ = 	snop  }
0x7: {  	_ = 	snop  }
__scs_overlays_trampoline_lowered:
0x8: {  	[smem:$0x3FA8] =	sst s0  }
0x9: {  	[smem:$0x3FA9] =	sst s1  }
0xa: {  	[smem:$0x3FAA] =	sst s2  }
0xb: {  	[smem:$0x3FAB] =	sst s3  }
0xc: {  	[smem:$0x3FAC] =	sst s4  }
0xd: {  	[smem:$0x3FAD] =	sst s5  }
0xe: {  	[smem:$0x3FAE] =	sst s6  }
0xf: {  	[smem:$0x3FAF] =	sst s7  }
0x10: {  	[smem:$0x3FB0] =	sst s8  }
0x11: {  	[smem:$0x3FB1] =	sst s9;
	s0 =	simm.s32 @!p0 $0x0  }
0x12: {  	s1 =	sld [smem:$0x3F97];
	s0 =	simm.s32 @p0 $0x1  }
0x13: {  	[smem:$0x3FB2] =	sst s0;
	s0 =	simm.s32 @!p1 $0x0  }
0x14: {  	s2 =	sld [smem:$0x3F96];
	s0 =	simm.s32 @p1 $0x1  }
0x15: {  	[smem:$0x3FB3] =	sst s0;
	s0 =	simm.s32 @!p2 $0x0  }
0x16: {  	s3 =	sld [smem:$0x3FDB];
	s0 =	simm.s32 @p2 $0x1  }
0x17: {  	s4 =	simm.s32 $0x1BF5;
	[smem:$0x3FB5] =	sst s0  }
0x18: {  	s0 =	sld [smem:$0x3F98];
	_ =	swait.ge [sflag:s4], $0x0  }
0x19: {  	s7 =	sld [smem:$0x3F99]  }
0x1a: {  	s8 =	sadd.s32 $0xFFFFE003, lr  }
0x1b: {  	s9 =	sadd.s32 $0xFFFFFEF7, lr;
	s5 =	simm.s32 $0xFFFFFFFF;
	p2 =	slt.u32 s8, $0xFFFFF086  }
0x1c: {  	p1 =	slt.u32 s9, $0xF7A;
	s5 =	simm.s32 @!p2 $0x0  }
0x1d: {  	s5 =	simm.s32 @p1 $0x1;
	p0 =	seq.s32 s7, s2  }
0x1e: {  	s7 =	smul.u32 @!p0 $0xF7A, s2;
	p2 =	seq.s32 @!p0 s5, $0x0  }
0x1f: {  	s9 =	smul.u32 $0xF7A, s1;
	s8 =	simm.s32 @!p0 $0x1BF5;
	p2 =	por !p2, p0  }
0x20: {  	[sflag:s8] =	ssyncset.s32 @!p0 $0xFFFFF086;
	s6 =	sadd.s32 @!p0 s3, s7;
	s7 =	simm.s32 @!p0 $0x108  }
0x21: {  	s3 =	sadd.s32 s3, s9;
	s6 =	sadd.s32 @!p0 $0x88, s6;
	s7 =	simm.s32 @p2 $0x1082  }
0x22: {  	[simem:s7], [sflag:s8] =	dma.local @!p0 [hbm:s6], $0xF7A  }
0x23: {  	s9 =	sor.u32 $0xD0000000, s2;
	s6 =	simm.s32 $0x108;
	_ =	swait.ge @!p0 [sflag:s8], $0x0  }
0x24: {  	s3 =	sadd.s32 $0x88, s3;
	s6 =	simm.s32 @!p1 $0x1082;
	[sflag:s4] =	ssyncset.s32 $0xFFFFF086  }
0x25: {  	[simem:s6], [sflag:s4] =	dma.local [hbm:s3], $0xF7A  }
0x26: {  	[smem:$0x3F99] =	sst s1;
	(tag) =	ssettag s2;
	_ =	strace s9  }
0x27: {  	s1 =	sld [smem:$0x3FA9]  }
0x28: {  	s2 =	sld [smem:$0x3FAA]  }
0x29: {  	s4 =	sld [smem:$0x3FAC]  }
0x2a: {  	p0 =	seq.s32 s5, $0x0;
	s5 =	sld [smem:$0x3FAD]  }
0x2b: {  	s6 =	sld [smem:$0x3FAE]  }
0x2c: {  	s7 =	sld [smem:$0x3FAF]  }
0x2d: {  	s3 =	simm.s32 $0x108;
	s8 =	sld [smem:$0x3FB0]  }
0x2e: {  	s3 =	simm.s32 @!p0 $0x1082;
	s9 =	sld [smem:$0x3FB1]  }
0x2f: {  	lr =	sadd.s32 s0, s3;
	s0 =	sld [smem:$0x3FA8]  }
0x30: {  	s3 =	sld [smem:$0x3FAB]  }
0x31: {  	[smem:$0x3FB4] =	sst s10  }
0x32: {  	s10 =	sld [smem:$0x3FB2];
	_ =	sdelay $0x3  }
0x33: {  	p0 =	seq.s32 s10, $0x1;
	s10 =	sld [smem:$0x3FB4];
	_ =	sdelay $0x3  }
0x34: {  	[smem:$0x3FB4] =	sst s10  }
0x35: {  	s10 =	sld [smem:$0x3FB3];
	_ =	sdelay $0x3  }
0x36: {  	p1 =	seq.s32 s10, $0x1;
	s10 =	sld [smem:$0x3FB4];
	_ =	sdelay $0x3  }
0x37: {  	[smem:$0x3FB4] =	sst s10  }
0x38: {  	s10 =	sld [smem:$0x3FB5]  }
0x39: {  	_ = 	snop;
	(pc) =	sbr.ind lr, $3  }
0x3a: {  	_ = 	snop  }
0x3b: {  	_ = 	snop  }
0x3c: {  	p2 =	seq.s32 s10, $0x1;
	s10 =	sld [smem:$0x3FB4]  }
0x3d: {  	_ =	shalt  }
0x3e: {  	_ =	shalt  }
0x3f: {  	_ =	shalt  }
0x40: {  	_ =	shalt  }
0x41: {  	_ =	shalt  }
0x42: {  	_ =	shalt  }
0x43: {  	_ =	shalt  }
0x44: {  	_ =	shalt  }
0x45: {  	_ =	shalt  }
0x46: {  	_ =	shalt  }
0x47: {  	_ =	shalt  }
0x48: {  	_ =	shalt  }
0x49: {  	_ =	shalt  }
0x4a: {  	_ =	shalt  }
0x4b: {  	_ =	shalt  }
0x4c: {  	_ =	shalt  }
0x4d: {  	_ =	shalt  }
0x4e: {  	_ =	shalt  }
0x4f: {  	_ =	shalt  }
0x50: {  	_ =	shalt  }
0x51: {  	_ =	shalt  }
0x52: {  	_ =	shalt  }
0x53: {  	_ =	shalt  }
0x54: {  	_ =	shalt  }
0x55: {  	_ =	shalt  }
0x56: {  	_ =	shalt  }
0x57: {  	_ =	shalt  }
0x58: {  	_ =	shalt  }
0x59: {  	_ =	shalt  }
0x5a: {  	_ =	shalt  }
0x5b: {  	_ =	shalt  }
0x5c: {  	_ =	shalt  }
0x5d: {  	_ =	shalt  }
0x5e: {  	_ =	shalt  }
0x5f: {  	_ =	shalt  }
0x60: {  	_ =	shalt  }
0x61: {  	_ =	shalt  }
0x62: {  	_ =	shalt  }
0x63: {  	_ =	shalt  }
0x64: {  	_ =	shalt  }
0x65: {  	_ =	shalt  }
0x66: {  	_ =	shalt  }
0x67: {  	_ =	shalt  }
0x68: {  	_ =	shalt  }
0x69: {  	_ =	shalt  }
0x6a: {  	_ =	shalt  }
0x6b: {  	_ =	shalt  }
0x6c: {  	_ =	shalt  }
0x6d: {  	_ =	shalt  }
0x6e: {  	_ =	shalt  }
0x6f: {  	_ =	shalt  }
0x70: {  	_ =	shalt  }
0x71: {  	_ =	shalt  }
0x72: {  	_ =	shalt  }
0x73: {  	_ =	shalt  }
0x74: {  	_ =	shalt  }
0x75: {  	_ =	shalt  }
0x76: {  	_ =	shalt  }
0x77: {  	_ =	shalt  }
0x78: {  	_ =	shalt  }
0x79: {  	_ =	shalt  }
0x7a: {  	_ =	shalt  }
0x7b: {  	_ =	shalt  }
0x7c: {  	_ =	shalt  }
0x7d: {  	_ =	shalt  }
0x7e: {  	_ =	shalt  }
0x7f: {  	_ =	shalt  }
0x80: {  	_ =	shalt  }
0x81: {  	_ =	shalt  }
0x82: {  	_ =	shalt  }
0x83: {  	_ =	shalt  }
0x84: {  	_ =	shalt  }
0x85: {  	_ =	shalt  }
0x86: {  	_ =	shalt  }
0x87: {  	_ =	shalt  }
.Lfunc_end0:
.L_simem_size_0:
called_computation.1_lowered:
.L_overlay_start_0:
0x88: {  	s2 =	sld [smem:$0x3FD9]  }
0x89: {  	s3 =	sld [smem:$0x3FFE];
	_ =	sdelay $0x1  }
0x8a: {  	s1 =	srdreg.scid  }
0x8b: {  	s0 =	sand.u32 $0x1, s1  }
0x8c: {  	s17 =	sshll.u32 s0, $0xA;
	s2 =	sadd.s32 s3, s2  }
0x8d: {  	s2 =	sadd.s32 s2, s17  }
0x8e: {  	[smem:$0x3FC0] =	sst s2  }
0x8f: {  	_ = 	snop  }
0x90: {  	s2 =	sld [smem:$0x3FD0];
	(tm) =	ssettm $0x1  }
0x91: {  	s18 =	sld [smem:$0x3FFB];
	_ =	sdelay $0x3  }
0x92: {  	_ =	strace s18  }
0x93: {  	s3 =	sld [smem:$0x3FFC];
	_ =	sdelay $0x3  }
0x94: {  	_ =	strace s3  }
0x95: {  	s3 =	sld [smem:$0x3FFD];
	_ =	sdelay $0x3  }
0x96: {  	_ =	strace s3  }
0x97: {  	_ =	strace $0x8FFFFFFF  }
0x98: {  	s19 =	sld [smem:$0x3FDB];
	_ =	sdelay $0x1  }
0x99: {  	s4 =	simm.s32 $_scs_section_size  }
0x9a: {  	s5 =	simm.s32 $_size__tile_overlayer_lowered;
	s6 =	simm.s32 $_tile_overlayer_lowered  }
0x9b: {  	s22 =	simm.s32 $0x1BFF;
	s21 =	sshll.u32 s6, $0x1;
	s3 =	sadd.s32 s4, s19  }
0x9c: {  	s7 =	simm.s32 $0x0;
	s20 =	sshll.u32 s5, $0x1;
	s5 =	sadd.s32 s21, s3  }
0x9d: {  	[timem:s7], [sflag:s22] =	dma.local [hbm:s5], s20  }
0x9e: {  	_ =	swait.ge [sflag:s22], s20  }
0x9f: {  	s4 =	ssub.s32 $0x0, s20;
	[sflag:s22] =	ssyncset.done $0x0  }
0xa0: {  	[sflag:s22] =	ssyncadd.s32 s4;
	_ =	sdelay $0x1  }
0xa1: {  	s23 =	simm.s32 $0x1B8B  }
0xa2: {  	_ =	swait.ge [sflag:s23], $0x1  }
0xa3: {  	[sflag:s23] =	ssyncset.done $0x0  }
0xa4: {  	s25 =	simm.s32 $0x1B8E;
	s24 =	sld [smem:$0x3FFE];
	[sflag:s23] =	ssyncadd.s32 $0xFFFFFFFF  }
0xa5: {  	s26 =	simm.s32 $execute0_lowered;
	[smem:$0x3FD2] =	sst s25  }
0xa6: {  	s5 =	sshll.u32 s26, $0x1;
	_ =	strace $0x80000049;
	[dreg:$0x1] =	wrdreg $0xFFFFFFFF  }
0xa7: {  	s28 =	simm.s32 $_size_execute0_lowered;
	s3 =	sadd.s32 s3, s5;
	[dreg:$0x0] =	wrdreg $0x0  }
0xa8: {  	s5 =	sshll.u32 s28, $0x1;
	[dreg:$0x2] =	wrdreg s3  }
0xa9: {  	[dreg:$0x3] =	wrdreg s5  }
0xaa: {  	[dreg:$0x4] =	wrdreg $0xC0  }
0xab: {  	_ =	task [dreg:s7], $0x5FFFF  }
0xac: {  	[dreg:$0x1] =	wrdreg $0xFFFFFFFF  }
0xad: {  	[dreg:$0x0] =	wrdreg $0x60  }
0xae: {  	[dreg:$0x2] =	wrdreg s2  }
0xaf: {  	[dreg:$0x3] =	wrdreg s24  }
0xb0: {  	[dreg:$0x4] =	wrdreg $0x41000  }
0xb1: {  	[dreg:$0x5] =	wrdreg $0x9  }
0xb2: {  	_ =	task.clear_ibuf [dreg:s7], $0x6FFFF;
	_ =	strace $0x90000049  }
0xb3: {  	s29 =	simm.s32 $0x9;
	_ =	strace $0x8000004B  }
0xb4: {  	_ =	swait.ge [sflag:s29], $0x1  }
0xb5: {  	[sflag:s29] =	ssyncadd.s32 $0xFFFFFFFF  }
0xb6: {  	_ =	strace $0x9000004B  }
0xb7: {  	_ =	sfence  }
0xb8: {  	s30 =	sld [smem:$0x0];
	_ =	sdelay $0x2  }
0xb9: {  	s31 =	sshll.u32 s1, $0xD;
	s1 =	sshrl.u32 s1, $0x2  }
0xba: {  	s3 =	sand.u32 $0x4000, s31;
	s1 =	sadd.s32 s1, s30  }
0xbb: {  	s0 =	sor.u32 s3, s0;
	s1 =	sshll.u32 s1, $0x11  }
0xbc: {  	s0 =	sor.u32 s1, s0  }
0xbd: {  	s0 =	sadd.s32 $0x8F2B, s0  }
0xbe: {  	[sflag:s0] =	ssyncadd.remote.s32 $0x1  }
0xbf: {  	_ =	sfence.sel $0xFFFF  }
0xc0: {  	[dreg:$0x0] =	wrdreg $0xFFFFFFFF;
	(pc) =	sbr.abs _section_cstart, $3  }
0xc1: {  	[dreg:$0x1] =	wrdreg $0xFFFFFFFF  }
0xc2: {  	_ =	task.clear_ibuf [dreg:s7], $0x2FFFF;
	_ =	strace $0x9FFFFFFF  }
0xc3: {  	(tm) =	ssettm $0x7FFFFFFF  }
tec
execute0_lowered:
.L_overlay_start_1:
0x0: {  	(tag) =	ssettag $0x1  }
0x1: {  	s1 =	rddreg [dreg:$0x0]  }
0x2: {  	s6 =	rddreg [dreg:$0x1]  }
0x3: {  	s0 =	srdreg.scid;
	s3 =	stileid.u32  }
0x4: {  	s2 =	rddreg [dreg:$0x2];
	s4 =	simm.s32 $0x0;
	s9 =	smul.u32 $0x13C00, s3  }
0x5: {  	s14 =	simm.s32 $0x1;
	s15 =	simm.s32 $0x0;
	s26 =	smul.u32 $0x4F000, s3  }
0x6: {  	s7 =	sand.u32 $0x1, s0;
	s0 =	rddreg [dreg:$0x3];
	s11 =	smul.u32 $0x9E0, s3  }
0x7: {  	[smem:$0x7FF] =	sst s4;
	s30 =	sshll.u32 s3, $0x6;
	s5 =	smul.u32 $0x9E00, s7  }
0x8: {  	s8 =	smul.u32 $0x13C000, s7;
	_ =	strace $0x8000004A;
	s7 =	ssub.s32 $0x2, s7  }
0x9: {  	s28 =	sshrl.u32 s7, $0x1;
	s29 =	sshrl.u32 s26, $0x2;
	s10 =	sadd.s32 s5, s6  }
0xa: {  	s5 =	sadd.s32 $0x16200, s6;
	s8 =	sadd.s32 s9, s8;
	s12 =	ssub.s32 s7, s28  }
0xb: {  	s13 =	sadd.s32 s29, s2;
	s8 =	sshrl.u32 s8, $0x3;
	s31 =	sadd.s32 s11, s10  }
0xc: {  	s10 =	sshrl.u32 s13, $0x3;
	s11 =	simm.s32 $0x2;
	s13 =	simm.s32 $0x100  }
0xd: {  	s8 =	sadd.s32 s8, s6;
	s6 =	sor.u32 $0x1C02, s30;
	s9 =	sadd.s32 $0x2600, s31  }
0xe: {  	s7 =	sadd.s32 $0x67A00, s8;
	s8 =	smax.u32 s12, $0x1;
	s12 =	simm.s32 $0x80  }
.LBB2_1:
0xf: {  	[spmem:s10], [sflag:s6] =	dma.local [hbm:s5], $0x2780  }
0x10: {  	_ =	swait.ge [sflag:s11], $0x2780  }
0x11: {  	[sflag:s11] =	ssyncset.done $0x0  }
0x12: {  	[sflag:s11] =	ssyncadd.s32 $0xFFFFD880  }
0x13: {  	s16 =	sadd.s32 $0x0, s9;
	[bflag:$0x0] =	sbarrier.arrive $0xFFFF  }
0x14: {  	[tilespmem:s4], [sflag:$0x2] =	stream.linear.gather [hbm4b:s16+s4], $0x100, $0x38;
	[tilespmem:$0x17D00] =	vst v63  }
0x15: {  	_ =	swait.ge [sflag:s11], $0x100  }
0x16: {  	[sflag:s11] =	ssyncset.done $0x0  }
0x17: {  	[sflag:s11] =	ssyncadd.s32 $0xFFFFFF00  }
0x18: {  	[tilespmem:s13], [sflag:$0x1] =	stream.indirect.gather [hbm4b:s1+s12], $0x80, s4, s12, $0xb8;
	[tilespmem:$0x17D00] =	vst v63  }
0x19: {  	_ =	swait.ge [sflag:s14], $0x4000  }
0x1a: {  	[sflag:s14] =	ssyncset.done $0x0  }
0x1b: {  	[sflag:s14] =	ssyncadd.s32 $0xFFFFC000  }
0x1c: {  	[spmem:s2] =	stream.indirect.scatter.add.f32 [tilespmem:s13], [sflag:$0x2], $0x80, s12, s12, $0xb8;
	[tilespmem:$0x17D00] =	vst v63  }
0x1d: {  	_ =	swait.ge [sflag:s11], $0x4000  }
0x1e: {  	s17 =	simm.s32 $0x40;
	s16 =	simm.s32 $0x20;
	[sflag:s11] =	ssyncset.done $0x0  }
.LBB2_2:
0x1f: {  	s18 =	sadd.s32 s16, s9  }
0x20: {  	[sflag:s11] =	ssyncadd.s32 $0xFFFFC000;
	s16 =	smov.u32 s17;
	s19 =	sadd.s32 $0x20, s17  }
0x21: {  	[tilespmem:s4], [sflag:$0x2] =	stream.linear.gather [hbm4b:s18+s4], $0x100, $0x38;
	[tilespmem:$0x17D00] =	vst v63  }
0x22: {  	p0 =	sne.s32 s17, $0x9C0;
	_ =	swait.ge [sflag:s11], $0x100  }
0x23: {  	[sflag:s11] =	ssyncset.done $0x0  }
0x24: {  	[sflag:s11] =	ssyncadd.s32 $0xFFFFFF00  }
0x25: {  	[tilespmem:s13], [sflag:$0x1] =	stream.indirect.gather [hbm4b:s1+s12], $0x80, s4, s12, $0xb8;
	[tilespmem:$0x17D00] =	vst v63  }
0x26: {  	_ =	swait.ge [sflag:s14], $0x4000  }
.Ltmp0:
0x27: {  	[sflag:s14] =	ssyncset.done $0x0;
	(pc) =	sbr.rel @p0 .LBB2_2-.Ltmp0, $4  }
0x28: {  	[sflag:s14] =	ssyncadd.s32 $0xFFFFC000  }
0x29: {  	[spmem:s2] =	stream.indirect.scatter.add.f32 [tilespmem:s13], [sflag:$0x2], $0x80, s12, s12, $0xb8;
	[tilespmem:$0x17D00] =	vst v63  }
0x2a: {  	_ =	swait.ge [sflag:s11], $0x4000  }
0x2b: {  	s17 =	smov.u32 s19;
	[sflag:s11] =	ssyncset.done $0x0  }
0x2c: {  	s16 =	sadd.s32 s16, s9;
	[sflag:s11] =	ssyncadd.s32 $0xFFFFC000  }
0x2d: {  	[tilespmem:s4], [sflag:$0x2] =	stream.linear.gather [hbm4b:s16+s4], $0x100, $0x38;
	[tilespmem:$0x17D00] =	vst v63  }
0x2e: {  	_ =	swait.ge [sflag:s11], $0x100  }
0x2f: {  	[sflag:s11] =	ssyncset.done $0x0  }
0x30: {  	[sflag:s11] =	ssyncadd.s32 $0xFFFFFF00  }
0x31: {  	[tilespmem:s13], [sflag:$0x1] =	stream.indirect.gather [hbm4b:s1+s12], $0x80, s4, s12, $0xb8;
	[tilespmem:$0x17D00] =	vst v63  }
0x32: {  	_ =	swait.ge [sflag:s14], $0x4000  }
0x33: {  	[sflag:s14] =	ssyncset.done $0x0  }
0x34: {  	[sflag:s14] =	ssyncadd.s32 $0xFFFFC000  }
0x35: {  	[spmem:s2] =	stream.indirect.scatter.add.f32 [tilespmem:s13], [sflag:$0x2], $0x80, s12, s12, $0xb8;
	[tilespmem:$0x17D00] =	vst v63  }
0x36: {  	_ =	swait.ge [sflag:s11], $0x4000  }
0x37: {  	s15 =	sadd.s32 $0x1, s15;
	[sflag:s11] =	ssyncset.done $0x0  }
0x38: {  	p0 =	sne.s32 s15, s8;
	[sflag:s11] =	ssyncadd.s32 $0xFFFFC000  }
.Ltmp1:
0x39: {  	[bflag:$0x0] =	sbarrier.arrive $0xFFFF;
	(pc) =	sbr.rel @p0 .LBB2_1-.Ltmp1, $4  }
0x3a: {  	[hbm:s7], [sflag:s6] =	dma.local [spmem:s10], $0x2780  }
0x3b: {  	_ =	swait.ge [sflag:s11], $0x2780  }
0x3c: {  	[sflag:s11] =	ssyncset.done $0x0  }
0x3d: {  	[sflag:s11] =	ssyncadd.s32 $0xFFFFD880  }
0x3e: {  	_ =	sfence.sel $0x180000  }
0x3f: {  	[bflag:$0x0] =	sbarrier.arrive $0xFFFF  }
0x40: {  	p0 =	sne.s32 s3, $0x0;
	_ =	strace $0x9000004A  }
0x41: {  	s0 =	sadd.s32 @!p0 $0x100000, s0;
	[bflag:$0x2] =	sbarrier.arrive $0xFFFF  }
0x42: {  	[sflag:s0] =	ssyncadd.tile.s32 @!p0 $0x1;
	_ =	shalt  }
.Lfunc_end2:
_tile_overlayer_lowered:
.L_overlay_start_2:
0x43: {  	(tag) =	ssettag $0x2  }
0x44: {  	s0 =	rddreg [dreg:$0x0];
	s2 =	stileid.u32  }
0x45: {  	s1 =	rddreg [dreg:$0x1];
	p0 =	sne.s32 s2, $0x0  }
0x46: {  	s3 =	rddreg [dreg:$0x2];
	[bflag:$0x3] =	sbarrier.arrive $0xFFFF;
	s2 =	simm.s32 @!p0 $0x1C02  }
0x47: {  	[timem:s3], [sflag:s2] =	dma.local @!p0 [hbm:s0], s1  }
0x48: {  	s0 =	simm.s32 @!p0 $0x2  }
0x49: {  	_ =	swait.ge @!p0 [sflag:s0], s1  }
0x4a: {  	s1 =	ssub.s32 @!p0 $0x0, s1;
	[sflag:s0] =	ssyncset.done @!p0 $0x0  }
0x4b: {  	[sflag:s0] =	ssyncadd.s32 @!p0 s1  }
0x4c: {  	[bflag:$0x3] =	sbarrier.arrive $0xFFFF  }
0x4d: {  	_ =	shalt  }

// kernel: kernel.14.cloned.1.call-start
scs
__scs_entry_jumppad:
0x0: {  	(pc) =	sbr.rel $0x88, $3  }
0x1: {  	(tag) =	ssettag $0x0;
	lr =	simm.s32 $0x1  }
0x2: {  	[smem:$0x3F99] =	sst lr;
	_ =	strace $0xD0000000  }
0x3: {  	_ = 	snop  }
0x4: {  	_ = 	snop  }
0x5: {  	_ = 	snop  }
0x6: {  	_ = 	snop  }
0x7: {  	_ = 	snop  }
__scs_overlays_trampoline_lowered:
0x8: {  	[smem:$0x3FA8] =	sst s0  }
0x9: {  	[smem:$0x3FA9] =	sst s1  }
0xa: {  	[smem:$0x3FAA] =	sst s2  }
0xb: {  	[smem:$0x3FAB] =	sst s3  }
0xc: {  	[smem:$0x3FAC] =	sst s4  }
0xd: {  	[smem:$0x3FAD] =	sst s5  }
0xe: {  	[smem:$0x3FAE] =	sst s6  }
0xf: {  	[smem:$0x3FAF] =	sst s7  }
0x10: {  	[smem:$0x3FB0] =	sst s8  }
0x11: {  	[smem:$0x3FB1] =	sst s9;
	s0 =	simm.s32 @!p0 $0x0  }
0x12: {  	s1 =	sld [smem:$0x3F97];
	s0 =	simm.s32 @p0 $0x1  }
0x13: {  	[smem:$0x3FB2] =	sst s0;
	s0 =	simm.s32 @!p1 $0x0  }
0x14: {  	s2 =	sld [smem:$0x3F96];
	s0 =	simm.s32 @p1 $0x1  }
0x15: {  	[smem:$0x3FB3] =	sst s0;
	s0 =	simm.s32 @!p2 $0x0  }
0x16: {  	s3 =	sld [smem:$0x3FDB];
	s0 =	simm.s32 @p2 $0x1  }
0x17: {  	s4 =	simm.s32 $0x1BF5;
	[smem:$0x3FB5] =	sst s0  }
0x18: {  	s0 =	sld [smem:$0x3F98];
	_ =	swait.ge [sflag:s4], $0x0  }
0x19: {  	s7 =	sld [smem:$0x3F99]  }
0x1a: {  	s8 =	sadd.s32 $0xFFFFE003, lr  }
0x1b: {  	s9 =	sadd.s32 $0xFFFFFEF7, lr;
	s5 =	simm.s32 $0xFFFFFFFF;
	p2 =	slt.u32 s8, $0xFFFFF086  }
0x1c: {  	p1 =	slt.u32 s9, $0xF7A;
	s5 =	simm.s32 @!p2 $0x0  }
0x1d: {  	s5 =	simm.s32 @p1 $0x1;
	p0 =	seq.s32 s7, s2  }
0x1e: {  	s7 =	smul.u32 @!p0 $0xF7A, s2;
	p2 =	seq.s32 @!p0 s5, $0x0  }
0x1f: {  	s9 =	smul.u32 $0xF7A, s1;
	s8 =	simm.s32 @!p0 $0x1BF5;
	p2 =	por !p2, p0  }
0x20: {  	[sflag:s8] =	ssyncset.s32 @!p0 $0xFFFFF086;
	s6 =	sadd.s32 @!p0 s3, s7;
	s7 =	simm.s32 @!p0 $0x108  }
0x21: {  	s3 =	sadd.s32 s3, s9;
	s6 =	sadd.s32 @!p0 $0x88, s6;
	s7 =	simm.s32 @p2 $0x1082  }
0x22: {  	[simem:s7], [sflag:s8] =	dma.local @!p0 [hbm:s6], $0xF7A  }
0x23: {  	s9 =	sor.u32 $0xD0000000, s2;
	s6 =	simm.s32 $0x108;
	_ =	swait.ge @!p0 [sflag:s8], $0x0  }
0x24: {  	s3 =	sadd.s32 $0x88, s3;
	s6 =	simm.s32 @!p1 $0x1082;
	[sflag:s4] =	ssyncset.s32 $0xFFFFF086  }
0x25: {  	[simem:s6], [sflag:s4] =	dma.local [hbm:s3], $0xF7A  }
0x26: {  	[smem:$0x3F99] =	sst s1;
	(tag) =	ssettag s2;
	_ =	strace s9  }
0x27: {  	s1 =	sld [smem:$0x3FA9]  }
0x28: {  	s2 =	sld [smem:$0x3FAA]  }
0x29: {  	s4 =	sld [smem:$0x3FAC]  }
0x2a: {  	p0 =	seq.s32 s5, $0x0;
	s5 =	sld [smem:$0x3FAD]  }
0x2b: {  	s6 =	sld [smem:$0x3FAE]  }
0x2c: {  	s7 =	sld [smem:$0x3FAF]  }
0x2d: {  	s3 =	simm.s32 $0x108;
	s8 =	sld [smem:$0x3FB0]  }
0x2e: {  	s3 =	simm.s32 @!p0 $0x1082;
	s9 =	sld [smem:$0x3FB1]  }
0x2f: {  	lr =	sadd.s32 s0, s3;
	s0 =	sld [smem:$0x3FA8]  }
0x30: {  	s3 =	sld [smem:$0x3FAB]  }
0x31: {  	[smem:$0x3FB4] =	sst s10  }
0x32: {  	s10 =	sld [smem:$0x3FB2];
	_ =	sdelay $0x3  }
0x33: {  	p0 =	seq.s32 s10, $0x1;
	s10 =	sld [smem:$0x3FB4];
	_ =	sdelay $0x3  }
0x34: {  	[smem:$0x3FB4] =	sst s10  }
0x35: {  	s10 =	sld [smem:$0x3FB3];
	_ =	sdelay $0x3  }
0x36: {  	p1 =	seq.s32 s10, $0x1;
	s10 =	sld [smem:$0x3FB4];
	_ =	sdelay $0x3  }
0x37: {  	[smem:$0x3FB4] =	sst s10  }
0x38: {  	s10 =	sld [smem:$0x3FB5]  }
0x39: {  	_ = 	snop;
	(pc) =	sbr.ind lr, $3  }
0x3a: {  	_ = 	snop  }
0x3b: {  	_ = 	snop  }
0x3c: {  	p2 =	seq.s32 s10, $0x1;
	s10 =	sld [smem:$0x3FB4]  }
0x3d: {  	_ =	shalt  }
0x3e: {  	_ =	shalt  }
0x3f: {  	_ =	shalt  }
0x40: {  	_ =	shalt  }
0x41: {  	_ =	shalt  }
0x42: {  	_ =	shalt  }
0x43: {  	_ =	shalt  }
0x44: {  	_ =	shalt  }
0x45: {  	_ =	shalt  }
0x46: {  	_ =	shalt  }
0x47: {  	_ =	shalt  }
0x48: {  	_ =	shalt  }
0x49: {  	_ =	shalt  }
0x4a: {  	_ =	shalt  }
0x4b: {  	_ =	shalt  }
0x4c: {  	_ =	shalt  }
0x4d: {  	_ =	shalt  }
0x4e: {  	_ =	shalt  }
0x4f: {  	_ =	shalt  }
0x50: {  	_ =	shalt  }
0x51: {  	_ =	shalt  }
0x52: {  	_ =	shalt  }
0x53: {  	_ =	shalt  }
0x54: {  	_ =	shalt  }
0x55: {  	_ =	shalt  }
0x56: {  	_ =	shalt  }
0x57: {  	_ =	shalt  }
0x58: {  	_ =	shalt  }
0x59: {  	_ =	shalt  }
0x5a: {  	_ =	shalt  }
0x5b: {  	_ =	shalt  }
0x5c: {  	_ =	shalt  }
0x5d: {  	_ =	shalt  }
0x5e: {  	_ =	shalt  }
0x5f: {  	_ =	shalt  }
0x60: {  	_ =	shalt  }
0x61: {  	_ =	shalt  }
0x62: {  	_ =	shalt  }
0x63: {  	_ =	shalt  }
0x64: {  	_ =	shalt  }
0x65: {  	_ =	shalt  }
0x66: {  	_ =	shalt  }
0x67: {  	_ =	shalt  }
0x68: {  	_ =	shalt  }
0x69: {  	_ =	shalt  }
0x6a: {  	_ =	shalt  }
0x6b: {  	_ =	shalt  }
0x6c: {  	_ =	shalt  }
0x6d: {  	_ =	shalt  }
0x6e: {  	_ =	shalt  }
0x6f: {  	_ =	shalt  }
0x70: {  	_ =	shalt  }
0x71: {  	_ =	shalt  }
0x72: {  	_ =	shalt  }
0x73: {  	_ =	shalt  }
0x74: {  	_ =	shalt  }
0x75: {  	_ =	shalt  }
0x76: {  	_ =	shalt  }
0x77: {  	_ =	shalt  }
0x78: {  	_ =	shalt  }
0x79: {  	_ =	shalt  }
0x7a: {  	_ =	shalt  }
0x7b: {  	_ =	shalt  }
0x7c: {  	_ =	shalt  }
0x7d: {  	_ =	shalt  }
0x7e: {  	_ =	shalt  }
0x7f: {  	_ =	shalt  }
0x80: {  	_ =	shalt  }
0x81: {  	_ =	shalt  }
0x82: {  	_ =	shalt  }
0x83: {  	_ =	shalt  }
0x84: {  	_ =	shalt  }
0x85: {  	_ =	shalt  }
0x86: {  	_ =	shalt  }
0x87: {  	_ =	shalt  }
.Lfunc_end0:
.L_simem_size_0:
called_computation.2_lowered:
.L_overlay_start_0:
0x88: {  	s2 =	sld [smem:$0x3FD9]  }
0x89: {  	s3 =	sld [smem:$0x3FFE];
	_ =	sdelay $0x1  }
0x8a: {  	s1 =	srdreg.scid  }
0x8b: {  	s0 =	sand.u32 $0x1, s1  }
0x8c: {  	s17 =	sshll.u32 s0, $0xA;
	s2 =	sadd.s32 s3, s2  }
0x8d: {  	s2 =	sadd.s32 s2, s17  }
0x8e: {  	[smem:$0x3FC0] =	sst s2  }
0x8f: {  	_ = 	snop  }
0x90: {  	s2 =	sld [smem:$0x3FD0];
	(tm) =	ssettm $0x1  }
0x91: {  	s18 =	sld [smem:$0x3FFB];
	_ =	sdelay $0x3  }
0x92: {  	_ =	strace s18  }
0x93: {  	s3 =	sld [smem:$0x3FFC];
	_ =	sdelay $0x3  }
0x94: {  	_ =	strace s3  }
0x95: {  	s3 =	sld [smem:$0x3FFD];
	_ =	sdelay $0x3  }
0x96: {  	_ =	strace s3  }
0x97: {  	_ =	strace $0x8FFFFFFF  }
0x98: {  	s19 =	sld [smem:$0x3FDB];
	_ =	sdelay $0x1  }
0x99: {  	s4 =	simm.s32 $_scs_section_size  }
0x9a: {  	s5 =	simm.s32 $_size__tile_overlayer_lowered;
	s6 =	simm.s32 $_tile_overlayer_lowered  }
0x9b: {  	s22 =	simm.s32 $0x1BFF;
	s21 =	sshll.u32 s6, $0x1;
	s3 =	sadd.s32 s4, s19  }
0x9c: {  	s7 =	simm.s32 $0x0;
	s20 =	sshll.u32 s5, $0x1;
	s5 =	sadd.s32 s21, s3  }
0x9d: {  	[timem:s7], [sflag:s22] =	dma.local [hbm:s5], s20  }
0x9e: {  	_ =	swait.ge [sflag:s22], s20  }
0x9f: {  	s4 =	ssub.s32 $0x0, s20;
	[sflag:s22] =	ssyncset.done $0x0  }
0xa0: {  	[sflag:s22] =	ssyncadd.s32 s4;
	_ =	sdelay $0x1  }
0xa1: {  	s23 =	simm.s32 $0x1B8B  }
0xa2: {  	_ =	swait.ge [sflag:s23], $0x1  }
0xa3: {  	[sflag:s23] =	ssyncset.done $0x0  }
0xa4: {  	s25 =	simm.s32 $0x1B8E;
	s24 =	sld [smem:$0x3FFE];
	[sflag:s23] =	ssyncadd.s32 $0xFFFFFFFF  }
0xa5: {  	s26 =	simm.s32 $execute0_lowered;
	[smem:$0x3FD2] =	sst s25  }
0xa6: {  	s5 =	sshll.u32 s26, $0x1;
	_ =	strace $0x8000004C;
	[dreg:$0x1] =	wrdreg $0xFFFFFFFF  }
0xa7: {  	s28 =	simm.s32 $_size_execute0_lowered;
	s3 =	sadd.s32 s3, s5;
	[dreg:$0x0] =	wrdreg $0x0  }
0xa8: {  	s5 =	sshll.u32 s28, $0x1;
	[dreg:$0x2] =	wrdreg s3  }
0xa9: {  	[dreg:$0x3] =	wrdreg s5  }
0xaa: {  	[dreg:$0x4] =	wrdreg $0xC0  }
0xab: {  	_ =	task [dreg:s7], $0x5FFFF  }
0xac: {  	[dreg:$0x1] =	wrdreg $0xFFFFFFFF  }
0xad: {  	[dreg:$0x0] =	wrdreg $0x60  }
0xae: {  	[dreg:$0x2] =	wrdreg s2  }
0xaf: {  	[dreg:$0x3] =	wrdreg s24  }
0xb0: {  	[dreg:$0x4] =	wrdreg $0x41000  }
0xb1: {  	[dreg:$0x5] =	wrdreg $0x9  }
0xb2: {  	_ =	task.clear_ibuf [dreg:s7], $0x6FFFF;
	_ =	strace $0x9000004C  }
0xb3: {  	s29 =	simm.s32 $0x9;
	_ =	strace $0x8000004E  }
0xb4: {  	_ =	swait.ge [sflag:s29], $0x1  }
0xb5: {  	[sflag:s29] =	ssyncadd.s32 $0xFFFFFFFF  }
0xb6: {  	_ =	strace $0x9000004E  }
0xb7: {  	_ =	sfence  }
0xb8: {  	s30 =	sld [smem:$0x0];
	_ =	sdelay $0x2  }
0xb9: {  	s31 =	sshll.u32 s1, $0xD;
	s1 =	sshrl.u32 s1, $0x2  }
0xba: {  	s3 =	sand.u32 $0x4000, s31;
	s1 =	sadd.s32 s1, s30  }
0xbb: {  	s0 =	sor.u32 s3, s0;
	s1 =	sshll.u32 s1, $0x11  }
0xbc: {  	s0 =	sor.u32 s1, s0  }
0xbd: {  	s0 =	sadd.s32 $0x8F2B, s0  }
0xbe: {  	[sflag:s0] =	ssyncadd.remote.s32 $0x1  }
0xbf: {  	_ =	sfence.sel $0xFFFF  }
0xc0: {  	[dreg:$0x0] =	wrdreg $0xFFFFFFFF;
	(pc) =	sbr.abs _section_cstart, $3  }
0xc1: {  	[dreg:$0x1] =	wrdreg $0xFFFFFFFF  }
0xc2: {  	_ =	task.clear_ibuf [dreg:s7], $0x2FFFF;
	_ =	strace $0x9FFFFFFF  }
0xc3: {  	(tm) =	ssettm $0x7FFFFFFF  }
tec
execute0_lowered:
.L_overlay_start_1:
0x0: {  	(tag) =	ssettag $0x1  }
0x1: {  	s1 =	rddreg [dreg:$0x0]  }
0x2: {  	s6 =	rddreg [dreg:$0x1]  }
0x3: {  	s0 =	srdreg.scid;
	s3 =	stileid.u32  }
0x4: {  	s2 =	rddreg [dreg:$0x2];
	s4 =	simm.s32 $0x0;
	s9 =	smul.u32 $0x13C00, s3  }
0x5: {  	s14 =	simm.s32 $0x1;
	s15 =	simm.s32 $0x0;
	s26 =	smul.u32 $0x4F000, s3  }
0x6: {  	s7 =	sand.u32 $0x1, s0;
	s0 =	rddreg [dreg:$0x3];
	s11 =	smul.u32 $0x9E0, s3  }
0x7: {  	[smem:$0x7FF] =	sst s4;
	s30 =	sshll.u32 s3, $0x6;
	s5 =	smul.u32 $0x9E00, s7  }
0x8: {  	s8 =	smul.u32 $0x13C000, s7;
	_ =	strace $0x8000004D;
	s7 =	ssub.s32 $0x2, s7  }
0x9: {  	s28 =	sshrl.u32 s7, $0x1;
	s29 =	sshrl.u32 s26, $0x2;
	s10 =	sadd.s32 s5, s6  }
0xa: {  	s5 =	sadd.s32 $0x16200, s6;
	s8 =	sadd.s32 s9, s8;
	s12 =	ssub.s32 s7, s28  }
0xb: {  	s13 =	sadd.s32 s29, s2;
	s8 =	sshrl.u32 s8, $0x3;
	s31 =	sadd.s32 s11, s10  }
0xc: {  	s10 =	sshrl.u32 s13, $0x3;
	s11 =	simm.s32 $0x2;
	s13 =	simm.s32 $0x100  }
0xd: {  	s8 =	sadd.s32 s8, s6;
	s6 =	sor.u32 $0x1C02, s30;
	s9 =	sadd.s32 $0x2600, s31  }
0xe: {  	s7 =	sadd.s32 $0x67A00, s8;
	s8 =	smax.u32 s12, $0x1;
	s12 =	simm.s32 $0x80  }
.LBB2_1:
0xf: {  	[spmem:s10], [sflag:s6] =	dma.local [hbm:s5], $0x2780  }
0x10: {  	_ =	swait.ge [sflag:s11], $0x2780  }
0x11: {  	[sflag:s11] =	ssyncset.done $0x0  }
0x12: {  	[sflag:s11] =	ssyncadd.s32 $0xFFFFD880  }
0x13: {  	s16 =	sadd.s32 $0x0, s9;
	[bflag:$0x0] =	sbarrier.arrive $0xFFFF  }
0x14: {  	[tilespmem:s4], [sflag:$0x2] =	stream.linear.gather [hbm4b:s16+s4], $0x100, $0x38;
	[tilespmem:$0x17D00] =	vst v63  }
0x15: {  	_ =	swait.ge [sflag:s11], $0x100  }
0x16: {  	[sflag:s11] =	ssyncset.done $0x0  }
0x17: {  	[sflag:s11] =	ssyncadd.s32 $0xFFFFFF00  }
0x18: {  	[tilespmem:s13], [sflag:$0x1] =	stream.indirect.gather [hbm4b:s1+s12], $0x80, s4, s12, $0xb8;
	[tilespmem:$0x17D00] =	vst v63  }
0x19: {  	_ =	swait.ge [sflag:s14], $0x4000  }
0x1a: {  	[sflag:s14] =	ssyncset.done $0x0  }
0x1b: {  	[sflag:s14] =	ssyncadd.s32 $0xFFFFC000  }
0x1c: {  	[spmem:s2] =	stream.indirect.scatter.add.f32 [tilespmem:s13], [sflag:$0x2], $0x80, s12, s12, $0xb8;
	[tilespmem:$0x17D00] =	vst v63  }
0x1d: {  	_ =	swait.ge [sflag:s11], $0x4000  }
0x1e: {  	s17 =	simm.s32 $0x40;
	s16 =	simm.s32 $0x20;
	[sflag:s11] =	ssyncset.done $0x0  }
.LBB2_2:
0x1f: {  	s18 =	sadd.s32 s16, s9  }
0x20: {  	[sflag:s11] =	ssyncadd.s32 $0xFFFFC000;
	s16 =	smov.u32 s17;
	s19 =	sadd.s32 $0x20, s17  }
0x21: {  	[tilespmem:s4], [sflag:$0x2] =	stream.linear.gather [hbm4b:s18+s4], $0x100, $0x38;
	[tilespmem:$0x17D00] =	vst v63  }
0x22: {  	p0 =	sne.s32 s17, $0x9C0;
	_ =	swait.ge [sflag:s11], $0x100  }
0x23: {  	[sflag:s11] =	ssyncset.done $0x0  }
0x24: {  	[sflag:s11] =	ssyncadd.s32 $0xFFFFFF00  }
0x25: {  	[tilespmem:s13], [sflag:$0x1] =	stream.indirect.gather [hbm4b:s1+s12], $0x80, s4, s12, $0xb8;
	[tilespmem:$0x17D00] =	vst v63  }
0x26: {  	_ =	swait.ge [sflag:s14], $0x4000  }
.Ltmp0:
0x27: {  	[sflag:s14] =	ssyncset.done $0x0;
	(pc) =	sbr.rel @p0 .LBB2_2-.Ltmp0, $4  }
0x28: {  	[sflag:s14] =	ssyncadd.s32 $0xFFFFC000  }
0x29: {  	[spmem:s2] =	stream.indirect.scatter.add.f32 [tilespmem:s13], [sflag:$0x2], $0x80, s12, s12, $0xb8;
	[tilespmem:$0x17D00] =	vst v63  }
0x2a: {  	_ =	swait.ge [sflag:s11], $0x4000  }
0x2b: {  	s17 =	smov.u32 s19;
	[sflag:s11] =	ssyncset.done $0x0  }
0x2c: {  	s16 =	sadd.s32 s16, s9;
	[sflag:s11] =	ssyncadd.s32 $0xFFFFC000  }
0x2d: {  	[tilespmem:s4], [sflag:$0x2] =	stream.linear.gather [hbm4b:s16+s4], $0x100, $0x38;
	[tilespmem:$0x17D00] =	vst v63  }
0x2e: {  	_ =	swait.ge [sflag:s11], $0x100  }
0x2f: {  	[sflag:s11] =	ssyncset.done $0x0  }
0x30: {  	[sflag:s11] =	ssyncadd.s32 $0xFFFFFF00  }
0x31: {  	[tilespmem:s13], [sflag:$0x1] =	stream.indirect.gather [hbm4b:s1+s12], $0x80, s4, s12, $0xb8;
	[tilespmem:$0x17D00] =	vst v63  }
0x32: {  	_ =	swait.ge [sflag:s14], $0x4000  }
0x33: {  	[sflag:s14] =	ssyncset.done $0x0  }
0x34: {  	[sflag:s14] =	ssyncadd.s32 $0xFFFFC000  }
0x35: {  	[spmem:s2] =	stream.indirect.scatter.add.f32 [tilespmem:s13], [sflag:$0x2], $0x80, s12, s12, $0xb8;
	[tilespmem:$0x17D00] =	vst v63  }
0x36: {  	_ =	swait.ge [sflag:s11], $0x4000  }
0x37: {  	s15 =	sadd.s32 $0x1, s15;
	[sflag:s11] =	ssyncset.done $0x0  }
0x38: {  	p0 =	sne.s32 s15, s8;
	[sflag:s11] =	ssyncadd.s32 $0xFFFFC000  }
.Ltmp1:
0x39: {  	[bflag:$0x0] =	sbarrier.arrive $0xFFFF;
	(pc) =	sbr.rel @p0 .LBB2_1-.Ltmp1, $4  }
0x3a: {  	[hbm:s7], [sflag:s6] =	dma.local [spmem:s10], $0x2780  }
0x3b: {  	_ =	swait.ge [sflag:s11], $0x2780  }
0x3c: {  	[sflag:s11] =	ssyncset.done $0x0  }
0x3d: {  	[sflag:s11] =	ssyncadd.s32 $0xFFFFD880  }
0x3e: {  	_ =	sfence.sel $0x180000  }
0x3f: {  	[bflag:$0x0] =	sbarrier.arrive $0xFFFF  }
0x40: {  	p0 =	sne.s32 s3, $0x0;
	_ =	strace $0x9000004D  }
0x41: {  	s0 =	sadd.s32 @!p0 $0x100000, s0;
	[bflag:$0x2] =	sbarrier.arrive $0xFFFF  }
0x42: {  	[sflag:s0] =	ssyncadd.tile.s32 @!p0 $0x1;
	_ =	shalt  }
.Lfunc_end2:
_tile_overlayer_lowered:
.L_overlay_start_2:
0x43: {  	(tag) =	ssettag $0x2  }
0x44: {  	s0 =	rddreg [dreg:$0x0];
	s2 =	stileid.u32  }
0x45: {  	s1 =	rddreg [dreg:$0x1];
	p0 =	sne.s32 s2, $0x0  }
0x46: {  	s3 =	rddreg [dreg:$0x2];
	[bflag:$0x3] =	sbarrier.arrive $0xFFFF;
	s2 =	simm.s32 @!p0 $0x1C02  }
0x47: {  	[timem:s3], [sflag:s2] =	dma.local @!p0 [hbm:s0], s1  }
0x48: {  	s0 =	simm.s32 @!p0 $0x2  }
0x49: {  	_ =	swait.ge @!p0 [sflag:s0], s1  }
0x4a: {  	s1 =	ssub.s32 @!p0 $0x0, s1;
	[sflag:s0] =	ssyncset.done @!p0 $0x0  }
0x4b: {  	[sflag:s0] =	ssyncadd.s32 @!p0 s1  }
0x4c: {  	[bflag:$0x3] =	sbarrier.arrive $0xFFFF  }
0x4d: {  	_ =	shalt  }

// kernel: kernel.8.cloned.1.call-start
scs
__scs_entry_jumppad:
0x0: {  	(pc) =	sbr.rel $0x88, $3  }
0x1: {  	(tag) =	ssettag $0x0;
	lr =	simm.s32 $0x1  }
0x2: {  	[smem:$0x3F99] =	sst lr;
	_ =	strace $0xD0000000  }
0x3: {  	_ = 	snop  }
0x4: {  	_ = 	snop  }
0x5: {  	_ = 	snop  }
0x6: {  	_ = 	snop  }
0x7: {  	_ = 	snop  }
__scs_overlays_trampoline_lowered:
0x8: {  	[smem:$0x3FA8] =	sst s0  }
0x9: {  	[smem:$0x3FA9] =	sst s1  }
0xa: {  	[smem:$0x3FAA] =	sst s2  }
0xb: {  	[smem:$0x3FAB] =	sst s3  }
0xc: {  	[smem:$0x3FAC] =	sst s4  }
0xd: {  	[smem:$0x3FAD] =	sst s5  }
0xe: {  	[smem:$0x3FAE] =	sst s6  }
0xf: {  	[smem:$0x3FAF] =	sst s7  }
0x10: {  	[smem:$0x3FB0] =	sst s8  }
0x11: {  	[smem:$0x3FB1] =	sst s9;
	s0 =	simm.s32 @!p0 $0x0  }
0x12: {  	s1 =	sld [smem:$0x3F97];
	s0 =	simm.s32 @p0 $0x1  }
0x13: {  	[smem:$0x3FB2] =	sst s0;
	s0 =	simm.s32 @!p1 $0x0  }
0x14: {  	s2 =	sld [smem:$0x3F96];
	s0 =	simm.s32 @p1 $0x1  }
0x15: {  	[smem:$0x3FB3] =	sst s0;
	s0 =	simm.s32 @!p2 $0x0  }
0x16: {  	s3 =	sld [smem:$0x3FDB];
	s0 =	simm.s32 @p2 $0x1  }
0x17: {  	s4 =	simm.s32 $0x1BF5;
	[smem:$0x3FB5] =	sst s0  }
0x18: {  	s0 =	sld [smem:$0x3F98];
	_ =	swait.ge [sflag:s4], $0x0  }
0x19: {  	s7 =	sld [smem:$0x3F99]  }
0x1a: {  	s8 =	sadd.s32 $0xFFFFE003, lr  }
0x1b: {  	s9 =	sadd.s32 $0xFFFFFEF7, lr;
	s5 =	simm.s32 $0xFFFFFFFF;
	p2 =	slt.u32 s8, $0xFFFFF086  }
0x1c: {  	p1 =	slt.u32 s9, $0xF7A;
	s5 =	simm.s32 @!p2 $0x0  }
0x1d: {  	s5 =	simm.s32 @p1 $0x1;
	p0 =	seq.s32 s7, s2  }
0x1e: {  	s7 =	smul.u32 @!p0 $0xF7A, s2;
	p2 =	seq.s32 @!p0 s5, $0x0  }
0x1f: {  	s9 =	smul.u32 $0xF7A, s1;
	s8 =	simm.s32 @!p0 $0x1BF5;
	p2 =	por !p2, p0  }
0x20: {  	[sflag:s8] =	ssyncset.s32 @!p0 $0xFFFFF086;
	s6 =	sadd.s32 @!p0 s3, s7;
	s7 =	simm.s32 @!p0 $0x108  }
0x21: {  	s3 =	sadd.s32 s3, s9;
	s6 =	sadd.s32 @!p0 $0x88, s6;
	s7 =	simm.s32 @p2 $0x1082  }
0x22: {  	[simem:s7], [sflag:s8] =	dma.local @!p0 [hbm:s6], $0xF7A  }
0x23: {  	s9 =	sor.u32 $0xD0000000, s2;
	s6 =	simm.s32 $0x108;
	_ =	swait.ge @!p0 [sflag:s8], $0x0  }
0x24: {  	s3 =	sadd.s32 $0x88, s3;
	s6 =	simm.s32 @!p1 $0x1082;
	[sflag:s4] =	ssyncset.s32 $0xFFFFF086  }
0x25: {  	[simem:s6], [sflag:s4] =	dma.local [hbm:s3], $0xF7A  }
0x26: {  	[smem:$0x3F99] =	sst s1;
	(tag) =	ssettag s2;
	_ =	strace s9  }
0x27: {  	s1 =	sld [smem:$0x3FA9]  }
0x28: {  	s2 =	sld [smem:$0x3FAA]  }
0x29: {  	s4 =	sld [smem:$0x3FAC]  }
0x2a: {  	p0 =	seq.s32 s5, $0x0;
	s5 =	sld [smem:$0x3FAD]  }
0x2b: {  	s6 =	sld [smem:$0x3FAE]  }
0x2c: {  	s7 =	sld [smem:$0x3FAF]  }
0x2d: {  	s3 =	simm.s32 $0x108;
	s8 =	sld [smem:$0x3FB0]  }
0x2e: {  	s3 =	simm.s32 @!p0 $0x1082;
	s9 =	sld [smem:$0x3FB1]  }
0x2f: {  	lr =	sadd.s32 s0, s3;
	s0 =	sld [smem:$0x3FA8]  }
0x30: {  	s3 =	sld [smem:$0x3FAB]  }
0x31: {  	[smem:$0x3FB4] =	sst s10  }
0x32: {  	s10 =	sld [smem:$0x3FB2];
	_ =	sdelay $0x3  }
0x33: {  	p0 =	seq.s32 s10, $0x1;
	s10 =	sld [smem:$0x3FB4];
	_ =	sdelay $0x3  }
0x34: {  	[smem:$0x3FB4] =	sst s10  }
0x35: {  	s10 =	sld [smem:$0x3FB3];
	_ =	sdelay $0x3  }
0x36: {  	p1 =	seq.s32 s10, $0x1;
	s10 =	sld [smem:$0x3FB4];
	_ =	sdelay $0x3  }
0x37: {  	[smem:$0x3FB4] =	sst s10  }
0x38: {  	s10 =	sld [smem:$0x3FB5]  }
0x39: {  	_ = 	snop;
	(pc) =	sbr.ind lr, $3  }
0x3a: {  	_ = 	snop  }
0x3b: {  	_ = 	snop  }
0x3c: {  	p2 =	seq.s32 s10, $0x1;
	s10 =	sld [smem:$0x3FB4]  }
0x3d: {  	_ =	shalt  }
0x3e: {  	_ =	shalt  }
0x3f: {  	_ =	shalt  }
0x40: {  	_ =	shalt  }
0x41: {  	_ =	shalt  }
0x42: {  	_ =	shalt  }
0x43: {  	_ =	shalt  }
0x44: {  	_ =	shalt  }
0x45: {  	_ =	shalt  }
0x46: {  	_ =	shalt  }
0x47: {  	_ =	shalt  }
0x48: {  	_ =	shalt  }
0x49: {  	_ =	shalt  }
0x4a: {  	_ =	shalt  }
0x4b: {  	_ =	shalt  }
0x4c: {  	_ =	shalt  }
0x4d: {  	_ =	shalt  }
0x4e: {  	_ =	shalt  }
0x4f: {  	_ =	shalt  }
0x50: {  	_ =	shalt  }
0x51: {  	_ =	shalt  }
0x52: {  	_ =	shalt  }
0x53: {  	_ =	shalt  }
0x54: {  	_ =	shalt  }
0x55: {  	_ =	shalt  }
0x56: {  	_ =	shalt  }
0x57: {  	_ =	shalt  }
0x58: {  	_ =	shalt  }
0x59: {  	_ =	shalt  }
0x5a: {  	_ =	shalt  }
0x5b: {  	_ =	shalt  }
0x5c: {  	_ =	shalt  }
0x5d: {  	_ =	shalt  }
0x5e: {  	_ =	shalt  }
0x5f: {  	_ =	shalt  }
0x60: {  	_ =	shalt  }
0x61: {  	_ =	shalt  }
0x62: {  	_ =	shalt  }
0x63: {  	_ =	shalt  }
0x64: {  	_ =	shalt  }
0x65: {  	_ =	shalt  }
0x66: {  	_ =	shalt  }
0x67: {  	_ =	shalt  }
0x68: {  	_ =	shalt  }
0x69: {  	_ =	shalt  }
0x6a: {  	_ =	shalt  }
0x6b: {  	_ =	shalt  }
0x6c: {  	_ =	shalt  }
0x6d: {  	_ =	shalt  }
0x6e: {  	_ =	shalt  }
0x6f: {  	_ =	shalt  }
0x70: {  	_ =	shalt  }
0x71: {  	_ =	shalt  }
0x72: {  	_ =	shalt  }
0x73: {  	_ =	shalt  }
0x74: {  	_ =	shalt  }
0x75: {  	_ =	shalt  }
0x76: {  	_ =	shalt  }
0x77: {  	_ =	shalt  }
0x78: {  	_ =	shalt  }
0x79: {  	_ =	shalt  }
0x7a: {  	_ =	shalt  }
0x7b: {  	_ =	shalt  }
0x7c: {  	_ =	shalt  }
0x7d: {  	_ =	shalt  }
0x7e: {  	_ =	shalt  }
0x7f: {  	_ =	shalt  }
0x80: {  	_ =	shalt  }
0x81: {  	_ =	shalt  }
0x82: {  	_ =	shalt  }
0x83: {  	_ =	shalt  }
0x84: {  	_ =	shalt  }
0x85: {  	_ =	shalt  }
0x86: {  	_ =	shalt  }
0x87: {  	_ =	shalt  }
.Lfunc_end0:
.L_simem_size_0:
called_computation_lowered:
.L_overlay_start_0:
0x88: {  	s2 =	sld [smem:$0x3FD9]  }
0x89: {  	s3 =	sld [smem:$0x3FFE];
	_ =	sdelay $0x1  }
0x8a: {  	s1 =	srdreg.scid  }
0x8b: {  	s0 =	sand.u32 $0x1, s1  }
0x8c: {  	s17 =	sshll.u32 s0, $0xA;
	s2 =	sadd.s32 s3, s2  }
0x8d: {  	s2 =	sadd.s32 s2, s17  }
0x8e: {  	[smem:$0x3FC0] =	sst s2  }
0x8f: {  	_ = 	snop  }
0x90: {  	s2 =	sld [smem:$0x3FD0];
	(tm) =	ssettm $0x1  }
0x91: {  	s18 =	sld [smem:$0x3FFB];
	_ =	sdelay $0x3  }
0x92: {  	_ =	strace s18  }
0x93: {  	s3 =	sld [smem:$0x3FFC];
	_ =	sdelay $0x3  }
0x94: {  	_ =	strace s3  }
0x95: {  	s3 =	sld [smem:$0x3FFD];
	_ =	sdelay $0x3  }
0x96: {  	_ =	strace s3  }
0x97: {  	_ =	strace $0x8FFFFFFF  }
0x98: {  	s19 =	sld [smem:$0x3FDB];
	_ =	sdelay $0x1  }
0x99: {  	s4 =	simm.s32 $_scs_section_size  }
0x9a: {  	s5 =	simm.s32 $_size__tile_overlayer_lowered;
	s6 =	simm.s32 $_tile_overlayer_lowered  }
0x9b: {  	s22 =	simm.s32 $0x1BFF;
	s21 =	sshll.u32 s6, $0x1;
	s3 =	sadd.s32 s4, s19  }
0x9c: {  	s7 =	simm.s32 $0x0;
	s20 =	sshll.u32 s5, $0x1;
	s5 =	sadd.s32 s21, s3  }
0x9d: {  	[timem:s7], [sflag:s22] =	dma.local [hbm:s5], s20  }
0x9e: {  	_ =	swait.ge [sflag:s22], s20  }
0x9f: {  	s4 =	ssub.s32 $0x0, s20;
	[sflag:s22] =	ssyncset.done $0x0  }
0xa0: {  	[sflag:s22] =	ssyncadd.s32 s4;
	_ =	sdelay $0x1  }
0xa1: {  	s23 =	simm.s32 $0x1B8B  }
0xa2: {  	_ =	swait.ge [sflag:s23], $0x1  }
0xa3: {  	[sflag:s23] =	ssyncset.done $0x0  }
0xa4: {  	s25 =	simm.s32 $0x1B8E;
	s24 =	sld [smem:$0x3FFE];
	[sflag:s23] =	ssyncadd.s32 $0xFFFFFFFF  }
0xa5: {  	s26 =	simm.s32 $execute0_lowered;
	[smem:$0x3FD2] =	sst s25  }
0xa6: {  	s5 =	sshll.u32 s26, $0x1;
	_ =	strace $0x80000046;
	[dreg:$0x1] =	wrdreg $0xFFFFFFFF  }
0xa7: {  	s28 =	simm.s32 $_size_execute0_lowered;
	s3 =	sadd.s32 s3, s5;
	[dreg:$0x0] =	wrdreg $0x0  }
0xa8: {  	s5 =	sshll.u32 s28, $0x1;
	[dreg:$0x2] =	wrdreg s3  }
0xa9: {  	[dreg:$0x3] =	wrdreg s5  }
0xaa: {  	[dreg:$0x4] =	wrdreg $0xC0  }
0xab: {  	_ =	task [dreg:s7], $0x5FFFF  }
0xac: {  	[dreg:$0x1] =	wrdreg $0xFFFFFFFF  }
0xad: {  	[dreg:$0x0] =	wrdreg $0x60  }
0xae: {  	[dreg:$0x2] =	wrdreg s24  }
0xaf: {  	[dreg:$0x3] =	wrdreg s2  }
0xb0: {  	[dreg:$0x4] =	wrdreg $0x41000  }
0xb1: {  	[dreg:$0x5] =	wrdreg $0x9  }
0xb2: {  	_ =	task.clear_ibuf [dreg:s7], $0x6FFFF;
	_ =	strace $0x90000046  }
0xb3: {  	s29 =	simm.s32 $0x9;
	_ =	strace $0x80000048  }
0xb4: {  	_ =	swait.ge [sflag:s29], $0x1  }
0xb5: {  	[sflag:s29] =	ssyncadd.s32 $0xFFFFFFFF  }
0xb6: {  	_ =	strace $0x90000048  }
0xb7: {  	_ =	sfence  }
0xb8: {  	s30 =	sld [smem:$0x0];
	_ =	sdelay $0x2  }
0xb9: {  	s31 =	sshll.u32 s1, $0xD;
	s1 =	sshrl.u32 s1, $0x2  }
0xba: {  	s3 =	sand.u32 $0x4000, s31;
	s1 =	sadd.s32 s1, s30  }
0xbb: {  	s0 =	sor.u32 s3, s0;
	s1 =	sshll.u32 s1, $0x11  }
0xbc: {  	s0 =	sor.u32 s1, s0  }
0xbd: {  	s0 =	sadd.s32 $0x8F2B, s0  }
0xbe: {  	[sflag:s0] =	ssyncadd.remote.s32 $0x1  }
0xbf: {  	_ =	sfence.sel $0xFFFF  }
0xc0: {  	[dreg:$0x0] =	wrdreg $0xFFFFFFFF;
	(pc) =	sbr.abs _section_cstart, $3  }
0xc1: {  	[dreg:$0x1] =	wrdreg $0xFFFFFFFF  }
0xc2: {  	_ =	task.clear_ibuf [dreg:s7], $0x2FFFF;
	_ =	strace $0x9FFFFFFF  }
0xc3: {  	(tm) =	ssettm $0x7FFFFFFF  }
tec
execute0_lowered:
.L_overlay_start_1:
0x0: {  	(tag) =	ssettag $0x1  }
0x1: {  	s6 =	rddreg [dreg:$0x0];
	s0 =	srdreg.scid  }
0x2: {  	s2 =	rddreg [dreg:$0x1];
	s1 =	stileid.u32  }
0x3: {  	s3 =	rddreg [dreg:$0x2];
	s9 =	smul.u32 $0x13C00, s1  }
0x4: {  	s4 =	simm.s32 $0x0;
	s14 =	simm.s32 $0x0;
	s29 =	smul.u32 $0x4F000, s1  }
0x5: {  	s5 =	sand.u32 $0x1, s0;
	s0 =	rddreg [dreg:$0x3];
	s12 =	smul.u32 $0x9E0, s1  }
0x6: {  	[smem:$0x7FF] =	sst s4;
	s11 =	sshll.u32 s1, $0x6;
	s7 =	smul.u32 $0x9E00, s5  }
0x7: {  	s8 =	smul.u32 $0x13C000, s5;
	_ =	strace $0x80000047;
	s28 =	ssub.s32 $0x2, s5  }
0x8: {  	s5 =	sadd.s32 $0x16200, s6;
	s30 =	sshrl.u32 s28, $0x1;
	s10 =	sadd.s32 s7, s6  }
0x9: {  	s26 =	sadd.s32 s9, s8;
	s9 =	sshrl.u32 s29, $0x2;
	s8 =	ssub.s32 s28, s30  }
0xa: {  	s7 =	sshrl.u32 s26, $0x3;
	s13 =	sadd.s32 s9, s3;
	s8 =	smax.u32 s8, $0x1  }
0xb: {  	s31 =	sadd.s32 s12, s10;
	s12 =	simm.s32 $0x100;
	s7 =	sadd.s32 s7, s6  }
0xc: {  	s6 =	sor.u32 $0x1C01, s11;
	s9 =	sadd.s32 $0x2600, s31;
	s10 =	sshrl.u32 s13, $0x3  }
0xd: {  	s11 =	simm.s32 $0x1;
	s13 =	simm.s32 $0x80;
	s7 =	sadd.s32 $0x18A00, s7  }
.LBB2_1:
0xe: {  	[spmem:s10], [sflag:s6] =	dma.local [hbm:s5], $0x2780  }
0xf: {  	_ =	swait.ge [sflag:s11], $0x2780  }
0x10: {  	[sflag:s11] =	ssyncset.done $0x0  }
0x11: {  	[sflag:s11] =	ssyncadd.s32 $0xFFFFD880  }
0x12: {  	[tilespmem:s12], [sflag:$0x1] =	stream.linear.gather [hbm4b:s2+s4], $0x4000, $0x38;
	[tilespmem:$0x17D00] =	vst v63  }
0x13: {  	_ =	swait.ge [sflag:s11], $0x4000  }
0x14: {  	[sflag:s11] =	ssyncset.done $0x0  }
0x15: {  	[sflag:s11] =	ssyncadd.s32 $0xFFFFC000  }
0x16: {  	s15 =	sadd.s32 $0x0, s9;
	[bflag:$0x0] =	sbarrier.arrive $0xFFFF  }
0x17: {  	[tilespmem:s4], [sflag:$0x1] =	stream.linear.gather [hbm4b:s15+s4], $0x100, $0x38;
	[tilespmem:$0x17D00] =	vst v63  }
0x18: {  	_ =	swait.ge [sflag:s11], $0x100  }
0x19: {  	[sflag:s11] =	ssyncset.done $0x0  }
0x1a: {  	[sflag:s11] =	ssyncadd.s32 $0xFFFFFF00  }
0x1b: {  	[spmem:s3] =	stream.indirect.scatter.add.f32 [tilespmem:s12], [sflag:$0x1], $0x80, s13, s13, $0xb8;
	[tilespmem:$0x17D00] =	vst v63  }
0x1c: {  	_ =	swait.ge [sflag:s11], $0x4000  }
0x1d: {  	s16 =	simm.s32 $0x40;
	s15 =	simm.s32 $0x20;
	[sflag:s11] =	ssyncset.done $0x0  }
.LBB2_2:
0x1e: {  	s17 =	sadd.s32 s15, s9  }
0x1f: {  	[sflag:s11] =	ssyncadd.s32 $0xFFFFC000;
	s15 =	smov.u32 s16;
	s18 =	sadd.s32 $0x20, s16  }
0x20: {  	[tilespmem:s4], [sflag:$0x1] =	stream.linear.gather [hbm4b:s17+s4], $0x100, $0x38;
	[tilespmem:$0x17D00] =	vst v63  }
0x21: {  	p0 =	sne.s32 s16, $0x9C0;
	_ =	swait.ge [sflag:s11], $0x100  }
.Ltmp0:
0x22: {  	[sflag:s11] =	ssyncset.done $0x0;
	(pc) =	sbr.rel @p0 .LBB2_2-.Ltmp0, $4  }
0x23: {  	[sflag:s11] =	ssyncadd.s32 $0xFFFFFF00  }
0x24: {  	[spmem:s3] =	stream.indirect.scatter.add.f32 [tilespmem:s12], [sflag:$0x1], $0x80, s13, s13, $0xb8;
	[tilespmem:$0x17D00] =	vst v63  }
0x25: {  	_ =	swait.ge [sflag:s11], $0x4000  }
0x26: {  	s16 =	smov.u32 s18;
	[sflag:s11] =	ssyncset.done $0x0  }
0x27: {  	s15 =	sadd.s32 s15, s9;
	[sflag:s11] =	ssyncadd.s32 $0xFFFFC000  }
0x28: {  	[tilespmem:s4], [sflag:$0x1] =	stream.linear.gather [hbm4b:s15+s4], $0x100, $0x38;
	[tilespmem:$0x17D00] =	vst v63  }
0x29: {  	_ =	swait.ge [sflag:s11], $0x100  }
0x2a: {  	[sflag:s11] =	ssyncset.done $0x0  }
0x2b: {  	[sflag:s11] =	ssyncadd.s32 $0xFFFFFF00  }
0x2c: {  	[spmem:s3] =	stream.indirect.scatter.add.f32 [tilespmem:s12], [sflag:$0x1], $0x80, s13, s13, $0xb8;
	[tilespmem:$0x17D00] =	vst v63  }
0x2d: {  	_ =	swait.ge [sflag:s11], $0x4000  }
0x2e: {  	s14 =	sadd.s32 $0x1, s14;
	[sflag:s11] =	ssyncset.done $0x0  }
0x2f: {  	p0 =	sne.s32 s14, s8;
	[sflag:s11] =	ssyncadd.s32 $0xFFFFC000  }
.Ltmp1:
0x30: {  	[bflag:$0x0] =	sbarrier.arrive $0xFFFF;
	(pc) =	sbr.rel @p0 .LBB2_1-.Ltmp1, $4  }
0x31: {  	[hbm:s7], [sflag:s6] =	dma.local [spmem:s10], $0x2780  }
0x32: {  	_ =	swait.ge [sflag:s11], $0x2780  }
0x33: {  	[sflag:s11] =	ssyncset.done $0x0  }
0x34: {  	[sflag:s11] =	ssyncadd.s32 $0xFFFFD880  }
0x35: {  	_ =	sfence.sel $0x180000  }
0x36: {  	[bflag:$0x0] =	sbarrier.arrive $0xFFFF  }
0x37: {  	p0 =	sne.s32 s1, $0x0;
	_ =	strace $0x90000047  }
0x38: {  	s0 =	sadd.s32 @!p0 $0x100000, s0;
	[bflag:$0x2] =	sbarrier.arrive $0xFFFF  }
0x39: {  	[sflag:s0] =	ssyncadd.tile.s32 @!p0 $0x1;
	_ =	shalt  }
.Lfunc_end2:
_tile_overlayer_lowered:
.L_overlay_start_2:
0x3a: {  	(tag) =	ssettag $0x2  }
0x3b: {  	s0 =	rddreg [dreg:$0x0];
	s2 =	stileid.u32  }
0x3c: {  	s1 =	rddreg [dreg:$0x1];
	p0 =	sne.s32 s2, $0x0  }
0x3d: {  	s3 =	rddreg [dreg:$0x2];
	[bflag:$0x3] =	sbarrier.arrive $0xFFFF;
	s2 =	simm.s32 @!p0 $0x1C01  }
0x3e: {  	[timem:s3], [sflag:s2] =	dma.local @!p0 [hbm:s0], s1  }
0x3f: {  	s0 =	simm.s32 @!p0 $0x1  }
0x40: {  	_ =	swait.ge @!p0 [sflag:s0], s1  }
0x41: {  	s1 =	ssub.s32 @!p0 $0x0, s1;
	[sflag:s0] =	ssyncset.done @!p0 $0x0  }
0x42: {  	[sflag:s0] =	ssyncadd.s32 @!p0 s1  }
0x43: {  	[bflag:$0x3] =	sbarrier.arrive $0xFFFF  }
0x44: {  	_ =	shalt  }

</sc_bundles>
